<compile_context>
chip_gen: v7x
topology: tpu7x:2x2x1
jax: 0.10.2.dev20260603
libtpu: 0.0.44.dev20260713+nightly
codegen_flags: <defaults>
</compile_context>

<pallas_src>
import jax
import jax.numpy as jnp
from jax import lax
from jax.experimental import pallas as pl
from jax.experimental.pallas import tpu as pltpu
from jax.experimental.pallas import tpu_sc as plsc

S = 64.0
M = 0.4
H = 0.333
T_ALPHA = 0.01
EPS = 0.001

B = 1024
C = 100000
NC, NS, L = 2, 16, 16
NW = NC * NS
BPW = B // NW

CH4 = 125
NBUF = 4
NSTEP = C // 8 // CH4 // NBUF


def _clipn(v):
    return jnp.minimum(jnp.maximum(v, 0.001), 100.0)


def _sqrt16(x):
    tiny = 1e-20
    xc = jnp.maximum(x, tiny)
    i = plsc.bitcast(xc, jnp.int32)
    y = plsc.bitcast(0x5F3759DF - (i >> 1), jnp.float32)
    for _ in range(3):
        y = y * (1.5 - 0.5 * xc * y * y)
    r = xc * y
    r = 0.5 * (r + xc / r)
    return jnp.where(x <= tiny, 0.0, r)


def _sc_body(norms_h, bm_h, bs_h,
             ca_h, sa_h, off_h, nm_h, ns_h,
             norms_v, bm_v, bs_v, nm_v, ns_v, red_v,
             ca_v, sa_v, off_v):
    wid = lax.axis_index("s") * NC + lax.axis_index("c")
    base = wid * BPW
    iota = lax.iota(jnp.int32, L)

    def _lanesum(vec):
        for k in (1, 2, 4, 8):
            red_v[...] = vec
            vec = vec + plsc.load_gather(red_v, [iota ^ k])
        return vec

    pltpu.sync_copy(norms_h, norms_v)
    pltpu.sync_copy(bm_h, bm_v)
    pltpu.sync_copy(bs_h, bs_v)

    def _sum_body(i, acc):
        return acc + _clipn(norms_v[pl.ds(i * L, L)])
    acc = lax.fori_loop(0, B // L, _sum_body, jnp.zeros((L,), jnp.float32))
    mean = _lanesum(acc) / B

    def _var_body(i, acc):
        d = _clipn(norms_v[pl.ds(i * L, L)]) - mean
        return acc + d * d
    acc2 = lax.fori_loop(0, B // L, _var_body, jnp.zeros((L,), jnp.float32))
    var = _lanesum(acc2) / (B - 1)
    std = _sqrt16(var)

    nm_vec = T_ALPHA * mean + (1.0 - T_ALPHA) * bm_v[...]
    ns_vec = T_ALPHA * std + (1.0 - T_ALPHA) * bs_v[...]
    nm_v[...] = nm_vec
    ns_v[...] = ns_vec

    for k in range(BPW // L):
        n = _clipn(norms_v[pl.ds(base + k * L, L)])
        ms = jnp.clip((n - nm_vec) / (ns_vec + EPS) * H, -1.0, 1.0)
        a = M * ms
        a2 = a * a
        cos_a = 1.0 + a2 * (-0.5 + a2 * (1.0 / 24.0 + a2 * (
            -1.0 / 720.0 + a2 * (1.0 / 40320.0))))
        sin_a = a * (1.0 + a2 * (-1.0 / 6.0 + a2 * (
            1.0 / 120.0 + a2 * (-1.0 / 5040.0))))
        ca_v[pl.ds(k * L, L)] = cos_a
        sa_v[pl.ds(k * L, L)] = sin_a
        off_v[pl.ds(k * L, L)] = M + a

    pltpu.sync_copy(ca_v, ca_h.at[pl.ds(base, BPW)])
    pltpu.sync_copy(sa_v, sa_h.at[pl.ds(base, BPW)])
    pltpu.sync_copy(off_v, off_h.at[pl.ds(base, BPW)])

    @pl.when(wid == 0)
    def _():
        pltpu.sync_copy(nm_v, nm_h)
        pltpu.sync_copy(ns_v, ns_h)


_sc_prep = pl.kernel(
    _sc_body,
    out_type=[
        jax.ShapeDtypeStruct((B,), jnp.float32),
        jax.ShapeDtypeStruct((B,), jnp.float32),
        jax.ShapeDtypeStruct((B,), jnp.float32),
        jax.ShapeDtypeStruct((L,), jnp.float32),
        jax.ShapeDtypeStruct((L,), jnp.float32),
    ],
    mesh=plsc.VectorSubcoreMesh(core_axis_name="c", subcore_axis_name="s"),
    compiler_params=pltpu.CompilerParams(
        needs_layout_passes=False, use_tc_tiling_on_sc=False),
    scratch_types=[
        pltpu.VMEM((B,), jnp.float32),
        pltpu.VMEM((L,), jnp.float32),
        pltpu.VMEM((L,), jnp.float32),
        pltpu.VMEM((L,), jnp.float32),
        pltpu.VMEM((L,), jnp.float32),
        pltpu.VMEM((L,), jnp.float32),
        pltpu.VMEM((BPW,), jnp.float32),
        pltpu.VMEM((BPW,), jnp.float32),
        pltpu.VMEM((BPW,), jnp.float32),
    ],
)


def _tc_body(lab_ref, ca_ref, sa_ref, off_ref, lg_ref, o_ref, *bufs):
    ibufs, obufs = bufs[0:NBUF], bufs[NBUF:2 * NBUF]
    isems, osems = bufs[2 * NBUF:3 * NBUF], bufs[3 * NBUF:4 * NBUF]
    j = pl.program_id(0)

    def in_cp(c, buf, sem):
        return pltpu.make_async_copy(
            lg_ref.at[pl.ds(c * CH4, CH4), :, :, :], buf, sem)

    def out_cp(c, buf, sem):
        return pltpu.make_async_copy(
            buf, o_ref.at[pl.ds(c * CH4, CH4), :, :, :], sem)

    @pl.when(j == 0)
    def _():
        for b in range(NBUF):
            in_cp(b, ibufs[b], isems[b]).start()

    for b in range(NBUF):
        c = j * NBUF + b
        in_cp(c, ibufs[b], isems[b]).wait()

        @pl.when(j > 0)
        def _(b=b, c=c):
            out_cp(c - NBUF, obufs[b], osems[b]).wait()

        x = ibufs[b][...]
        lab = lab_ref[...].reshape(1, B // 128, 1, 128)
        ca = ca_ref[...].reshape(1, B // 128, 1, 128)
        sa = sa_ref[...].reshape(1, B // 128, 1, 128)
        off = off_ref[...].reshape(1, B // 128, 1, 128)
        ci = lax.broadcasted_iota(jnp.int32, (CH4, 1, 8, 1), 0)
        ck = lax.broadcasted_iota(jnp.int32, (CH4, 1, 8, 1), 2)
        cls = (c * CH4 + ci) * 8 + ck
        mask = cls == lab
        t = jnp.sum(jnp.where(mask, x, 0.0), axis=0, keepdims=True)
        t = jnp.sum(t, axis=2, keepdims=True)
        root = jnp.sqrt(jnp.maximum(1.0 - t * t, 0.0))
        g = (t * ca + root * sa - off) * S
        obufs[b][...] = jnp.where(mask, g, x * S)
        out_cp(c, obufs[b], osems[b]).start()

        @pl.when(j < NSTEP - 1)
        def _(b=b, c=c):
            in_cp(c + NBUF, ibufs[b], isems[b]).start()

    @pl.when(j == NSTEP - 1)
    def _():
        for b in range(NBUF):
            out_cp(j * NBUF + b, obufs[b], osems[b]).wait()


def _tc_scale(lg4, labels2d, ca2d, sa2d, off2d):
    return pl.pallas_call(
        _tc_body,
        grid=(NSTEP,),
        in_specs=[
            pl.BlockSpec((B // 128, 128), lambda j: (0, 0)),
            pl.BlockSpec((B // 128, 128), lambda j: (0, 0)),
            pl.BlockSpec((B // 128, 128), lambda j: (0, 0)),
            pl.BlockSpec((B // 128, 128), lambda j: (0, 0)),
            pl.BlockSpec(memory_space=pl.ANY),
        ],
        out_specs=pl.BlockSpec(memory_space=pl.ANY),
        out_shape=jax.ShapeDtypeStruct((C // 8, B // 128, 8, 128),
                                       jnp.float32),
        scratch_shapes=(
            [pltpu.VMEM((CH4, B // 128, 8, 128), jnp.float32)] * (2 * NBUF)
            + [pltpu.SemaphoreType.DMA] * (2 * NBUF)
        ),
        compiler_params=pltpu.CompilerParams(
            dimension_semantics=("arbitrary",),
            vmem_limit_bytes=100 * 1024 * 1024),
    )(labels2d, ca2d, sa2d, off2d, lg4)


def kernel(logits, labels, norms, batch_mean, batch_std):
    bm16 = jnp.broadcast_to(batch_mean, (L,))
    bs16 = jnp.broadcast_to(batch_std, (L,))
    ca, sa, off, nm16, ns16 = _sc_prep(norms.reshape(B), bm16, bs16)
    lg4 = logits.T.reshape(C // 8, 8, B // 128, 128).transpose(0, 2, 1, 3)
    out4 = _tc_scale(lg4, labels.reshape(B // 128, 128),
                     ca.reshape(B // 128, 128), sa.reshape(B // 128, 128),
                     off.reshape(B // 128, 128))
    out = out4.transpose(0, 2, 1, 3).reshape(C, B).T
    return out, nm16[:1], ns16[:1]

# --- scband reference (transcript-rebuilt; emitter-appended) ---
"""Pipeline reference for scband-ada-face-loss-44006234915148 (READ-ONLY COPY).

The authoritative reference and input builder live on the scoring server;
editing this copy changes nothing except your own understanding.
"""

import jax, jax.numpy as jnp
import numpy as np

S = 64.0
M = 0.4
H = 0.333
T_ALPHA = 0.01
EPS = 0.001


def setup_inputs(seed: int = 0) -> dict:
    key = jax.random.key(seed)
    k1, k2, k3 = jax.random.split(key, 3)
    B, C = 1024, 100000
    # logits are cosine similarities in [-1, 1]; rand in [0,1) is a valid arccos domain
    logits = jax.random.uniform(k1, (B, C), dtype=jnp.float32)
    labels = jax.random.randint(k2, (B,), 0, C, dtype=jnp.int32)
    norms = jax.random.uniform(k3, (B, 1), dtype=jnp.float32) * 30.0 + 1.0
    batch_mean = jnp.ones((1,), jnp.float32)
    batch_std = jnp.ones((1,), jnp.float32)
    return {"logits": logits, "labels": labels, "norms": norms,
            "batch_mean": batch_mean, "batch_std": batch_std}


def reference(logits, labels, norms, batch_mean, batch_std):
    # labels != -1 for all entries with our fill, so index_positive == all rows
    safe_norms = jax.lax.stop_gradient(jnp.clip(norms, 0.001, 100.0))
    mean = jnp.mean(safe_norms)
    std = jnp.std(safe_norms, ddof=1)  # torch std is unbiased (ddof=1)
    new_batch_mean = jax.lax.stop_gradient(mean * T_ALPHA + (1.0 - T_ALPHA) * batch_mean)
    new_batch_std = jax.lax.stop_gradient(std * T_ALPHA + (1.0 - T_ALPHA) * batch_std)
    margin_scaler = (safe_norms - new_batch_mean) / (new_batch_std + EPS)
    margin_scaler = jnp.clip(margin_scaler * H, -1.0, 1.0).reshape(-1)
    rows = jnp.arange(logits.shape[0])
    target_logit = logits[rows, labels]
    target_logit = jnp.arccos(target_logit)
    margin_final_logit = jnp.cos(target_logit - M * margin_scaler)
    margin_final_logit = margin_final_logit - (M + M * margin_scaler)
    margin_final_logit = jax.lax.stop_gradient(margin_final_logit).astype(logits.dtype)
    out = logits.at[rows, labels].set(margin_final_logit)
    out = out * S
    return (out, new_batch_mean, new_batch_std)

if __name__ == "__main__":
    import jax
    _d = setup_inputs()
    print(jax.jit(kernel)(*tuple(_d.values())))

</pallas_src>

<mosaic_0001>
#map = affine_map<(d0, d1) -> (0)>
module attributes {stable_mosaic.version = 14 : i64} {
  func.func @_sc_body(%arg0: i32, %arg1: i32, %arg2: memref<1024xf32, #tpu.memory_space<hbm>>, %arg3: memref<16xf32, #tpu.memory_space<hbm>>, %arg4: memref<16xf32, #tpu.memory_space<hbm>>, %arg5: memref<1024xf32, #tpu.memory_space<hbm>>, %arg6: memref<1024xf32, #tpu.memory_space<hbm>>, %arg7: memref<1024xf32, #tpu.memory_space<hbm>>, %arg8: memref<16xf32, #tpu.memory_space<hbm>>, %arg9: memref<16xf32, #tpu.memory_space<hbm>>, %arg10: memref<1024xf32, #tpu.memory_space<vmem>>, %arg11: memref<16xf32, #tpu.memory_space<vmem>>, %arg12: memref<16xf32, #tpu.memory_space<vmem>>, %arg13: memref<16xf32, #tpu.memory_space<vmem>>, %arg14: memref<16xf32, #tpu.memory_space<vmem>>, %arg15: memref<16xf32, #tpu.memory_space<vmem>>, %arg16: memref<32xf32, #tpu.memory_space<vmem>>, %arg17: memref<32xf32, #tpu.memory_space<vmem>>, %arg18: memref<32xf32, #tpu.memory_space<vmem>>) attributes {dimension_semantics = [#tpu.dimension_semantics<core_parallel>, #tpu.dimension_semantics<subcore_parallel>], iteration_bounds = array<i64: 2, 16>, scalar_prefetch = 0 : i64, scratch_operands = 9 : i64, tpu.core_type = #tpu.core_type<sc_vector_subcore>, window_params = [{transform_indices = #map}, {transform_indices = #map}, {transform_indices = #map}, {transform_indices = #map}, {transform_indices = #map}, {transform_indices = #map}, {transform_indices = #map}, {transform_indices = #map}]} {
    %mul3A = arith.constant 2 : i32
    %mul3A_0 = arith.muli %arg1, %mul3A : i32
    %add3A = arith.addi %mul3A_0, %arg0 : i32
    %mul3A_1 = arith.constant 32 : i32
    %mul3A_2 = arith.muli %add3A, %mul3A_1 : i32
    %iota3A = tpu.iota {dimensions = array<i32: 0>} : vector<16xi32>
    "tpu.region"() ({
      %run_scoped3A = tpu.sem_alloc : memref<!tpu.dma_semaphore, #tpu.memory_space<semaphore_mem>>
      tpu.enqueue_dma source(%arg2 : memref<1024xf32, #tpu.memory_space<hbm>>) target(%arg10 : memref<1024xf32, #tpu.memory_space<vmem>>) target_semaphore(%run_scoped3A : memref<!tpu.dma_semaphore, #tpu.memory_space<semaphore_mem>>)
      tpu.wait_dma2 semaphore(%run_scoped3A : memref<!tpu.dma_semaphore, #tpu.memory_space<semaphore_mem>>) src(%arg2 : memref<1024xf32, #tpu.memory_space<hbm>>) dst(%arg10 : memref<1024xf32, #tpu.memory_space<vmem>>)
      tpu.yield
    }) : () -> ()
    "tpu.region"() ({
      %run_scoped3A = tpu.sem_alloc : memref<!tpu.dma_semaphore, #tpu.memory_space<semaphore_mem>>
      tpu.enqueue_dma source(%arg3 : memref<16xf32, #tpu.memory_space<hbm>>) target(%arg11 : memref<16xf32, #tpu.memory_space<vmem>>) target_semaphore(%run_scoped3A : memref<!tpu.dma_semaphore, #tpu.memory_space<semaphore_mem>>)
      tpu.wait_dma2 semaphore(%run_scoped3A : memref<!tpu.dma_semaphore, #tpu.memory_space<semaphore_mem>>) src(%arg3 : memref<16xf32, #tpu.memory_space<hbm>>) dst(%arg11 : memref<16xf32, #tpu.memory_space<vmem>>)
      tpu.yield
    }) : () -> ()
    "tpu.region"() ({
      %run_scoped3A = tpu.sem_alloc : memref<!tpu.dma_semaphore, #tpu.memory_space<semaphore_mem>>
      tpu.enqueue_dma source(%arg4 : memref<16xf32, #tpu.memory_space<hbm>>) target(%arg12 : memref<16xf32, #tpu.memory_space<vmem>>) target_semaphore(%run_scoped3A : memref<!tpu.dma_semaphore, #tpu.memory_space<semaphore_mem>>)
      tpu.wait_dma2 semaphore(%run_scoped3A : memref<!tpu.dma_semaphore, #tpu.memory_space<semaphore_mem>>) src(%arg4 : memref<16xf32, #tpu.memory_space<hbm>>) dst(%arg12 : memref<16xf32, #tpu.memory_space<vmem>>)
      tpu.yield
    }) : () -> ()
    %broadcast_in_dim3A = arith.constant 0.000000e+00 : f32
    %broadcast_in_dim3A_3 = vector.broadcast %broadcast_in_dim3A : f32 to vector<16xf32>
    %scan3A = arith.constant 0 : i32
    %scan3A_4 = arith.constant 64 : i32
    %scan3A_5 = arith.addi %scan3A, %scan3A_4 : i32
    %scan3A_6 = arith.constant 1 : i32
    %scan3A_7 = scf.for %scan3A_280 = %scan3A to %scan3A_5 step %scan3A_6 iter_args(%scan3A_281 = %broadcast_in_dim3A_3) -> (vector<16xf32>)  : i32 {
      %mul3A_282 = arith.constant 16 : i32
      %mul3A_283 = arith.muli %scan3A_280, %mul3A_282 : i32
      %get3A_284 = arith.index_cast %mul3A_283 : i32 to index
      %get3A_285 = tpu.vector_load %arg10[%get3A_284] {strides = array<i32>} : memref<1024xf32, #tpu.memory_space<vmem>>, vector<16xf32>,
      %max3A_286 = arith.constant 1.000000e-03 : f32
      %max3A_287 = vector.broadcast %max3A_286 : f32 to vector<16xf32>
      %max3A_288 = arith.maximumf %get3A_285, %max3A_287 : vector<16xf32>
      %min3A_289 = arith.constant 1.000000e+02 : f32
      %min3A_290 = vector.broadcast %min3A_289 : f32 to vector<16xf32>
      %min3A_291 = arith.minimumf %max3A_288, %min3A_290 : vector<16xf32>
      %add3A_292 = arith.addf %scan3A_281, %min3A_291 : vector<16xf32>
      scf.yield %add3A_292 : vector<16xf32>
    }
    %scan3A_8 = arith.constant 64 : i32
    %swap3A = arith.constant 0 : index
    %swap3A_9 = tpu.vector_load %arg15[%swap3A] {strides = array<i32>} : memref<16xf32, #tpu.memory_space<vmem>>, vector<16xf32>,
    tpu.vector_store %arg15[%swap3A], %scan3A_7 {strides = array<i32>} : memref<16xf32, #tpu.memory_space<vmem>>, vector<16xf32>,
    %xor3A = arith.constant 1 : i32
    %xor3A_10 = vector.broadcast %xor3A : i32 to vector<16xi32>
    %xor3A_11 = arith.xori %iota3A, %xor3A_10 : vector<16xi32>
    %gather3A = tpu.vector_load_idx %arg15[%xor3A_11] : memref<16xf32, #tpu.memory_space<vmem>>[vector<16xi32>], vector<16xf32>,
    %add3A_12 = arith.addf %scan3A_7, %gather3A : vector<16xf32>
    %swap3A_13 = arith.constant 0 : index
    %swap3A_14 = tpu.vector_load %arg15[%swap3A_13] {strides = array<i32>} : memref<16xf32, #tpu.memory_space<vmem>>, vector<16xf32>,
    tpu.vector_store %arg15[%swap3A_13], %add3A_12 {strides = array<i32>} : memref<16xf32, #tpu.memory_space<vmem>>, vector<16xf32>,
    %xor3A_15 = arith.constant 2 : i32
    %xor3A_16 = vector.broadcast %xor3A_15 : i32 to vector<16xi32>
    %xor3A_17 = arith.xori %iota3A, %xor3A_16 : vector<16xi32>
    %gather3A_18 = tpu.vector_load_idx %arg15[%xor3A_17] : memref<16xf32, #tpu.memory_space<vmem>>[vector<16xi32>], vector<16xf32>,
    %add3A_19 = arith.addf %add3A_12, %gather3A_18 : vector<16xf32>
    %swap3A_20 = arith.constant 0 : index
    %swap3A_21 = tpu.vector_load %arg15[%swap3A_20] {strides = array<i32>} : memref<16xf32, #tpu.memory_space<vmem>>, vector<16xf32>,
    tpu.vector_store %arg15[%swap3A_20], %add3A_19 {strides = array<i32>} : memref<16xf32, #tpu.memory_space<vmem>>, vector<16xf32>,
    %xor3A_22 = arith.constant 4 : i32
    %xor3A_23 = vector.broadcast %xor3A_22 : i32 to vector<16xi32>
    %xor3A_24 = arith.xori %iota3A, %xor3A_23 : vector<16xi32>
    %gather3A_25 = tpu.vector_load_idx %arg15[%xor3A_24] : memref<16xf32, #tpu.memory_space<vmem>>[vector<16xi32>], vector<16xf32>,
    %add3A_26 = arith.addf %add3A_19, %gather3A_25 : vector<16xf32>
    %swap3A_27 = arith.constant 0 : index
    %swap3A_28 = tpu.vector_load %arg15[%swap3A_27] {strides = array<i32>} : memref<16xf32, #tpu.memory_space<vmem>>, vector<16xf32>,
    tpu.vector_store %arg15[%swap3A_27], %add3A_26 {strides = array<i32>} : memref<16xf32, #tpu.memory_space<vmem>>, vector<16xf32>,
    %xor3A_29 = arith.constant 8 : i32
    %xor3A_30 = vector.broadcast %xor3A_29 : i32 to vector<16xi32>
    %xor3A_31 = arith.xori %iota3A, %xor3A_30 : vector<16xi32>
    %gather3A_32 = tpu.vector_load_idx %arg15[%xor3A_31] : memref<16xf32, #tpu.memory_space<vmem>>[vector<16xi32>], vector<16xf32>,
    %add3A_33 = arith.addf %add3A_26, %gather3A_32 : vector<16xf32>
    %div3A = arith.constant 1.024000e+03 : f32
    %div3A_34 = vector.broadcast %div3A : f32 to vector<16xf32>
    %div3A_35 = arith.divf %add3A_33, %div3A_34 : vector<16xf32>
    %broadcast_in_dim3A_36 = arith.constant 0.000000e+00 : f32
    %broadcast_in_dim3A_37 = vector.broadcast %broadcast_in_dim3A_36 : f32 to vector<16xf32>
    %scan3A_38 = arith.constant 0 : i32
    %scan3A_39 = arith.constant 64 : i32
    %scan3A_40 = arith.addi %scan3A_38, %scan3A_39 : i32
    %scan3A_41 = arith.constant 1 : i32
    %scan3A_42 = scf.for %scan3A_280 = %scan3A_38 to %scan3A_40 step %scan3A_41 iter_args(%scan3A_281 = %broadcast_in_dim3A_37) -> (vector<16xf32>)  : i32 {
      %mul3A_282 = arith.constant 16 : i32
      %mul3A_283 = arith.muli %scan3A_280, %mul3A_282 : i32
      %get3A_284 = arith.index_cast %mul3A_283 : i32 to index
      %get3A_285 = tpu.vector_load %arg10[%get3A_284] {strides = array<i32>} : memref<1024xf32, #tpu.memory_space<vmem>>, vector<16xf32>,
      %max3A_286 = arith.constant 1.000000e-03 : f32
      %max3A_287 = vector.broadcast %max3A_286 : f32 to vector<16xf32>
      %max3A_288 = arith.maximumf %get3A_285, %max3A_287 : vector<16xf32>
      %min3A_289 = arith.constant 1.000000e+02 : f32
      %min3A_290 = vector.broadcast %min3A_289 : f32 to vector<16xf32>
      %min3A_291 = arith.minimumf %max3A_288, %min3A_290 : vector<16xf32>
      %sub3A_292 = arith.subf %min3A_291, %div3A_35 : vector<16xf32>
      %mul3A_293 = arith.mulf %sub3A_292, %sub3A_292 : vector<16xf32>
      %add3A_294 = arith.addf %scan3A_281, %mul3A_293 : vector<16xf32>
      scf.yield %add3A_294 : vector<16xf32>
    }
    %scan3A_43 = arith.constant 64 : i32
    %swap3A_44 = arith.constant 0 : index
    %swap3A_45 = tpu.vector_load %arg15[%swap3A_44] {strides = array<i32>} : memref<16xf32, #tpu.memory_space<vmem>>, vector<16xf32>,
    tpu.vector_store %arg15[%swap3A_44], %scan3A_42 {strides = array<i32>} : memref<16xf32, #tpu.memory_space<vmem>>, vector<16xf32>,
    %xor3A_46 = arith.constant 1 : i32
    %xor3A_47 = vector.broadcast %xor3A_46 : i32 to vector<16xi32>
    %xor3A_48 = arith.xori %iota3A, %xor3A_47 : vector<16xi32>
    %gather3A_49 = tpu.vector_load_idx %arg15[%xor3A_48] : memref<16xf32, #tpu.memory_space<vmem>>[vector<16xi32>], vector<16xf32>,
    %add3A_50 = arith.addf %scan3A_42, %gather3A_49 : vector<16xf32>
    %swap3A_51 = arith.constant 0 : index
    %swap3A_52 = tpu.vector_load %arg15[%swap3A_51] {strides = array<i32>} : memref<16xf32, #tpu.memory_space<vmem>>, vector<16xf32>,
    tpu.vector_store %arg15[%swap3A_51], %add3A_50 {strides = array<i32>} : memref<16xf32, #tpu.memory_space<vmem>>, vector<16xf32>,
    %xor3A_53 = arith.constant 2 : i32
    %xor3A_54 = vector.broadcast %xor3A_53 : i32 to vector<16xi32>
    %xor3A_55 = arith.xori %iota3A, %xor3A_54 : vector<16xi32>
    %gather3A_56 = tpu.vector_load_idx %arg15[%xor3A_55] : memref<16xf32, #tpu.memory_space<vmem>>[vector<16xi32>], vector<16xf32>,
    %add3A_57 = arith.addf %add3A_50, %gather3A_56 : vector<16xf32>
    %swap3A_58 = arith.constant 0 : index
    %swap3A_59 = tpu.vector_load %arg15[%swap3A_58] {strides = array<i32>} : memref<16xf32, #tpu.memory_space<vmem>>, vector<16xf32>,
    tpu.vector_store %arg15[%swap3A_58], %add3A_57 {strides = array<i32>} : memref<16xf32, #tpu.memory_space<vmem>>, vector<16xf32>,
    %xor3A_60 = arith.constant 4 : i32
    %xor3A_61 = vector.broadcast %xor3A_60 : i32 to vector<16xi32>
    %xor3A_62 = arith.xori %iota3A, %xor3A_61 : vector<16xi32>
    %gather3A_63 = tpu.vector_load_idx %arg15[%xor3A_62] : memref<16xf32, #tpu.memory_space<vmem>>[vector<16xi32>], vector<16xf32>,
    %add3A_64 = arith.addf %add3A_57, %gather3A_63 : vector<16xf32>
    %swap3A_65 = arith.constant 0 : index
    %swap3A_66 = tpu.vector_load %arg15[%swap3A_65] {strides = array<i32>} : memref<16xf32, #tpu.memory_space<vmem>>, vector<16xf32>,
    tpu.vector_store %arg15[%swap3A_65], %add3A_64 {strides = array<i32>} : memref<16xf32, #tpu.memory_space<vmem>>, vector<16xf32>,
    %xor3A_67 = arith.constant 8 : i32
    %xor3A_68 = vector.broadcast %xor3A_67 : i32 to vector<16xi32>
    %xor3A_69 = arith.xori %iota3A, %xor3A_68 : vector<16xi32>
    %gather3A_70 = tpu.vector_load_idx %arg15[%xor3A_69] : memref<16xf32, #tpu.memory_space<vmem>>[vector<16xi32>], vector<16xf32>,
    %add3A_71 = arith.addf %add3A_64, %gather3A_70 : vector<16xf32>
    %div3A_72 = arith.constant 1.023000e+03 : f32
    %div3A_73 = vector.broadcast %div3A_72 : f32 to vector<16xf32>
    %div3A_74 = arith.divf %add3A_71, %div3A_73 : vector<16xf32>
    %max3A = arith.constant 9.99999968E-21 : f32
    %max3A_75 = vector.broadcast %max3A : f32 to vector<16xf32>
    %max3A_76 = arith.maximumf %div3A_74, %max3A_75 : vector<16xf32>
    %bitcast3A = vector.bitcast %max3A_76 : vector<16xf32> to vector<16xi32>
    %shift_right_arithmetic3A = arith.constant 1 : i32
    %shift_right_arithmetic3A_77 = vector.broadcast %shift_right_arithmetic3A : i32 to vector<16xi32>
    %shift_right_arithmetic3A_78 = arith.shrsi %bitcast3A, %shift_right_arithmetic3A_77 : vector<16xi32>
    %sub3A = arith.constant 1597463007 : i32
    %sub3A_79 = vector.broadcast %sub3A : i32 to vector<16xi32>
    %sub3A_80 = arith.subi %sub3A_79, %shift_right_arithmetic3A_78 : vector<16xi32>
    %bitcast3A_81 = vector.bitcast %sub3A_80 : vector<16xi32> to vector<16xf32>
    %mul3A_82 = arith.constant 5.000000e-01 : f32
    %mul3A_83 = vector.broadcast %mul3A_82 : f32 to vector<16xf32>
    %mul3A_84 = arith.mulf %mul3A_83, %max3A_76 : vector<16xf32>
    %mul3A_85 = arith.mulf %mul3A_84, %bitcast3A_81 : vector<16xf32>
    %mul3A_86 = arith.mulf %mul3A_85, %bitcast3A_81 : vector<16xf32>
    %sub3A_87 = arith.constant 1.500000e+00 : f32
    %sub3A_88 = vector.broadcast %sub3A_87 : f32 to vector<16xf32>
    %sub3A_89 = arith.subf %sub3A_88, %mul3A_86 : vector<16xf32>
    %mul3A_90 = arith.mulf %bitcast3A_81, %sub3A_89 : vector<16xf32>
    %mul3A_91 = arith.constant 5.000000e-01 : f32
    %mul3A_92 = vector.broadcast %mul3A_91 : f32 to vector<16xf32>
    %mul3A_93 = arith.mulf %mul3A_92, %max3A_76 : vector<16xf32>
    %mul3A_94 = arith.mulf %mul3A_93, %mul3A_90 : vector<16xf32>
    %mul3A_95 = arith.mulf %mul3A_94, %mul3A_90 : vector<16xf32>
    %sub3A_96 = arith.constant 1.500000e+00 : f32
    %sub3A_97 = vector.broadcast %sub3A_96 : f32 to vector<16xf32>
    %sub3A_98 = arith.subf %sub3A_97, %mul3A_95 : vector<16xf32>
    %mul3A_99 = arith.mulf %mul3A_90, %sub3A_98 : vector<16xf32>
    %mul3A_100 = arith.constant 5.000000e-01 : f32
    %mul3A_101 = vector.broadcast %mul3A_100 : f32 to vector<16xf32>
    %mul3A_102 = arith.mulf %mul3A_101, %max3A_76 : vector<16xf32>
    %mul3A_103 = arith.mulf %mul3A_102, %mul3A_99 : vector<16xf32>
    %mul3A_104 = arith.mulf %mul3A_103, %mul3A_99 : vector<16xf32>
    %sub3A_105 = arith.constant 1.500000e+00 : f32
    %sub3A_106 = vector.broadcast %sub3A_105 : f32 to vector<16xf32>
    %sub3A_107 = arith.subf %sub3A_106, %mul3A_104 : vector<16xf32>
    %mul3A_108 = arith.mulf %mul3A_99, %sub3A_107 : vector<16xf32>
    %mul3A_109 = arith.mulf %max3A_76, %mul3A_108 : vector<16xf32>
    %div3A_110 = arith.divf %max3A_76, %mul3A_109 : vector<16xf32>
    %add3A_111 = arith.addf %mul3A_109, %div3A_110 : vector<16xf32>
    %mul3A_112 = arith.constant 5.000000e-01 : f32
    %mul3A_113 = vector.broadcast %mul3A_112 : f32 to vector<16xf32>
    %mul3A_114 = arith.mulf %mul3A_113, %add3A_111 : vector<16xf32>
    %le3A = arith.constant 9.99999968E-21 : f32
    %le3A_115 = vector.broadcast %le3A : f32 to vector<16xf32>
    %le3A_116 = arith.cmpf ole, %div3A_74, %le3A_115 : vector<16xf32>
    %jit3A = arith.constant 0.000000e+00 : f32
    %broadcast_in_dim3A_117 = vector.broadcast %jit3A : f32 to vector<16xf32>
    %select_n3A = arith.select %le3A_116, %broadcast_in_dim3A_117, %mul3A_114 : vector<16xi1>, vector<16xf32>
    %mul3A_118 = arith.constant 0.00999999977 : f32
    %mul3A_119 = vector.broadcast %mul3A_118 : f32 to vector<16xf32>
    %mul3A_120 = arith.mulf %mul3A_119, %div3A_35 : vector<16xf32>
    %get3A = arith.constant 0 : index
    %get3A_121 = tpu.vector_load %arg11[%get3A] {strides = array<i32>} : memref<16xf32, #tpu.memory_space<vmem>>, vector<16xf32>,
    %mul3A_122 = arith.constant 9.900000e-01 : f32
    %mul3A_123 = vector.broadcast %mul3A_122 : f32 to vector<16xf32>
    %mul3A_124 = arith.mulf %mul3A_123, %get3A_121 : vector<16xf32>
    %add3A_125 = arith.addf %mul3A_120, %mul3A_124 : vector<16xf32>
    %mul3A_126 = arith.constant 0.00999999977 : f32
    %mul3A_127 = vector.broadcast %mul3A_126 : f32 to vector<16xf32>
    %mul3A_128 = arith.mulf %mul3A_127, %select_n3A : vector<16xf32>
    %get3A_129 = arith.constant 0 : index
    %get3A_130 = tpu.vector_load %arg12[%get3A_129] {strides = array<i32>} : memref<16xf32, #tpu.memory_space<vmem>>, vector<16xf32>,
    %mul3A_131 = arith.constant 9.900000e-01 : f32
    %mul3A_132 = vector.broadcast %mul3A_131 : f32 to vector<16xf32>
    %mul3A_133 = arith.mulf %mul3A_132, %get3A_130 : vector<16xf32>
    %add3A_134 = arith.addf %mul3A_128, %mul3A_133 : vector<16xf32>
    %swap3A_135 = arith.constant 0 : index
    %swap3A_136 = tpu.vector_load %arg13[%swap3A_135] {strides = array<i32>} : memref<16xf32, #tpu.memory_space<vmem>>, vector<16xf32>,
    tpu.vector_store %arg13[%swap3A_135], %add3A_125 {strides = array<i32>} : memref<16xf32, #tpu.memory_space<vmem>>, vector<16xf32>,
    %swap3A_137 = arith.constant 0 : index
    %swap3A_138 = tpu.vector_load %arg14[%swap3A_137] {strides = array<i32>} : memref<16xf32, #tpu.memory_space<vmem>>, vector<16xf32>,
    tpu.vector_store %arg14[%swap3A_137], %add3A_134 {strides = array<i32>} : memref<16xf32, #tpu.memory_space<vmem>>, vector<16xf32>,
    %add3A_139 = arith.constant 0 : i32
    %add3A_140 = arith.addi %mul3A_2, %add3A_139 : i32
    %get3A_141 = arith.index_cast %add3A_140 : i32 to index
    %get3A_142 = tpu.vector_load %arg10[%get3A_141] {strides = array<i32>} : memref<1024xf32, #tpu.memory_space<vmem>>, vector<16xf32>,
    %max3A_143 = arith.constant 1.000000e-03 : f32
    %max3A_144 = vector.broadcast %max3A_143 : f32 to vector<16xf32>
    %max3A_145 = arith.maximumf %get3A_142, %max3A_144 : vector<16xf32>
    %min3A = arith.constant 1.000000e+02 : f32
    %min3A_146 = vector.broadcast %min3A : f32 to vector<16xf32>
    %min3A_147 = arith.minimumf %max3A_145, %min3A_146 : vector<16xf32>
    %sub3A_148 = arith.subf %min3A_147, %add3A_125 : vector<16xf32>
    %add3A_149 = arith.constant 1.000000e-03 : f32
    %add3A_150 = vector.broadcast %add3A_149 : f32 to vector<16xf32>
    %add3A_151 = arith.addf %add3A_134, %add3A_150 : vector<16xf32>
    %div3A_152 = arith.divf %sub3A_148, %add3A_151 : vector<16xf32>
    %mul3A_153 = arith.constant 3.330000e-01 : f32
    %mul3A_154 = vector.broadcast %mul3A_153 : f32 to vector<16xf32>
    %mul3A_155 = arith.mulf %div3A_152, %mul3A_154 : vector<16xf32>
    %jit3A_156 = arith.constant -1.000000e+00 : f32
    %jit3A_157 = arith.constant 1.000000e+00 : f32
    %max3A_158 = vector.broadcast %jit3A_156 : f32 to vector<16xf32>
    %max3A_159 = arith.maximumf %max3A_158, %mul3A_155 : vector<16xf32>
    %min3A_160 = vector.broadcast %jit3A_157 : f32 to vector<16xf32>
    %min3A_161 = arith.minimumf %min3A_160, %max3A_159 : vector<16xf32>
    %mul3A_162 = arith.constant 4.000000e-01 : f32
    %mul3A_163 = vector.broadcast %mul3A_162 : f32 to vector<16xf32>
    %mul3A_164 = arith.mulf %mul3A_163, %min3A_161 : vector<16xf32>
    %mul3A_165 = arith.mulf %mul3A_164, %mul3A_164 : vector<16xf32>
    %mul3A_166 = arith.constant 2.48015876E-5 : f32
    %mul3A_167 = vector.broadcast %mul3A_166 : f32 to vector<16xf32>
    %mul3A_168 = arith.mulf %mul3A_165, %mul3A_167 : vector<16xf32>
    %add3A_169 = arith.constant -0.00138888892 : f32
    %add3A_170 = vector.broadcast %add3A_169 : f32 to vector<16xf32>
    %add3A_171 = arith.addf %add3A_170, %mul3A_168 : vector<16xf32>
    %mul3A_172 = arith.mulf %mul3A_165, %add3A_171 : vector<16xf32>
    %add3A_173 = arith.constant 0.0416666679 : f32
    %add3A_174 = vector.broadcast %add3A_173 : f32 to vector<16xf32>
    %add3A_175 = arith.addf %add3A_174, %mul3A_172 : vector<16xf32>
    %mul3A_176 = arith.mulf %mul3A_165, %add3A_175 : vector<16xf32>
    %add3A_177 = arith.constant -5.000000e-01 : f32
    %add3A_178 = vector.broadcast %add3A_177 : f32 to vector<16xf32>
    %add3A_179 = arith.addf %add3A_178, %mul3A_176 : vector<16xf32>
    %mul3A_180 = arith.mulf %mul3A_165, %add3A_179 : vector<16xf32>
    %add3A_181 = arith.constant 1.000000e+00 : f32
    %add3A_182 = vector.broadcast %add3A_181 : f32 to vector<16xf32>
    %add3A_183 = arith.addf %add3A_182, %mul3A_180 : vector<16xf32>
    %mul3A_184 = arith.constant -1.98412701E-4 : f32
    %mul3A_185 = vector.broadcast %mul3A_184 : f32 to vector<16xf32>
    %mul3A_186 = arith.mulf %mul3A_165, %mul3A_185 : vector<16xf32>
    %add3A_187 = arith.constant 0.00833333377 : f32
    %add3A_188 = vector.broadcast %add3A_187 : f32 to vector<16xf32>
    %add3A_189 = arith.addf %add3A_188, %mul3A_186 : vector<16xf32>
    %mul3A_190 = arith.mulf %mul3A_165, %add3A_189 : vector<16xf32>
    %add3A_191 = arith.constant -0.166666672 : f32
    %add3A_192 = vector.broadcast %add3A_191 : f32 to vector<16xf32>
    %add3A_193 = arith.addf %add3A_192, %mul3A_190 : vector<16xf32>
    %mul3A_194 = arith.mulf %mul3A_165, %add3A_193 : vector<16xf32>
    %add3A_195 = arith.constant 1.000000e+00 : f32
    %add3A_196 = vector.broadcast %add3A_195 : f32 to vector<16xf32>
    %add3A_197 = arith.addf %add3A_196, %mul3A_194 : vector<16xf32>
    %mul3A_198 = arith.mulf %mul3A_164, %add3A_197 : vector<16xf32>
    %swap3A_199 = arith.constant 0 : index
    %swap3A_200 = tpu.vector_load %arg16[%swap3A_199] {strides = array<i32>} : memref<32xf32, #tpu.memory_space<vmem>>, vector<16xf32>,
    tpu.vector_store %arg16[%swap3A_199], %add3A_183 {strides = array<i32>} : memref<32xf32, #tpu.memory_space<vmem>>, vector<16xf32>,
    %swap3A_201 = arith.constant 0 : index
    %swap3A_202 = tpu.vector_load %arg17[%swap3A_201] {strides = array<i32>} : memref<32xf32, #tpu.memory_space<vmem>>, vector<16xf32>,
    tpu.vector_store %arg17[%swap3A_201], %mul3A_198 {strides = array<i32>} : memref<32xf32, #tpu.memory_space<vmem>>, vector<16xf32>,
    %add3A_203 = arith.constant 4.000000e-01 : f32
    %add3A_204 = vector.broadcast %add3A_203 : f32 to vector<16xf32>
    %add3A_205 = arith.addf %add3A_204, %mul3A_164 : vector<16xf32>
    %swap3A_206 = arith.constant 0 : index
    %swap3A_207 = tpu.vector_load %arg18[%swap3A_206] {strides = array<i32>} : memref<32xf32, #tpu.memory_space<vmem>>, vector<16xf32>,
    tpu.vector_store %arg18[%swap3A_206], %add3A_205 {strides = array<i32>} : memref<32xf32, #tpu.memory_space<vmem>>, vector<16xf32>,
    %add3A_208 = arith.constant 16 : i32
    %add3A_209 = arith.addi %mul3A_2, %add3A_208 : i32
    %get3A_210 = arith.index_cast %add3A_209 : i32 to index
    %get3A_211 = tpu.vector_load %arg10[%get3A_210] {strides = array<i32>} : memref<1024xf32, #tpu.memory_space<vmem>>, vector<16xf32>,
    %max3A_212 = arith.constant 1.000000e-03 : f32
    %max3A_213 = vector.broadcast %max3A_212 : f32 to vector<16xf32>
    %max3A_214 = arith.maximumf %get3A_211, %max3A_213 : vector<16xf32>
    %min3A_215 = arith.constant 1.000000e+02 : f32
    %min3A_216 = vector.broadcast %min3A_215 : f32 to vector<16xf32>
    %min3A_217 = arith.minimumf %max3A_214, %min3A_216 : vector<16xf32>
    %sub3A_218 = arith.subf %min3A_217, %add3A_125 : vector<16xf32>
    %add3A_219 = arith.constant 1.000000e-03 : f32
    %add3A_220 = vector.broadcast %add3A_219 : f32 to vector<16xf32>
    %add3A_221 = arith.addf %add3A_134, %add3A_220 : vector<16xf32>
    %div3A_222 = arith.divf %sub3A_218, %add3A_221 : vector<16xf32>
    %mul3A_223 = arith.constant 3.330000e-01 : f32
    %mul3A_224 = vector.broadcast %mul3A_223 : f32 to vector<16xf32>
    %mul3A_225 = arith.mulf %div3A_222, %mul3A_224 : vector<16xf32>
    %jit3A_226 = arith.constant -1.000000e+00 : f32
    %jit3A_227 = arith.constant 1.000000e+00 : f32
    %max3A_228 = vector.broadcast %jit3A_226 : f32 to vector<16xf32>
    %max3A_229 = arith.maximumf %max3A_228, %mul3A_225 : vector<16xf32>
    %min3A_230 = vector.broadcast %jit3A_227 : f32 to vector<16xf32>
    %min3A_231 = arith.minimumf %min3A_230, %max3A_229 : vector<16xf32>
    %mul3A_232 = arith.constant 4.000000e-01 : f32
    %mul3A_233 = vector.broadcast %mul3A_232 : f32 to vector<16xf32>
    %mul3A_234 = arith.mulf %mul3A_233, %min3A_231 : vector<16xf32>
    %mul3A_235 = arith.mulf %mul3A_234, %mul3A_234 : vector<16xf32>
    %mul3A_236 = arith.constant 2.48015876E-5 : f32
    %mul3A_237 = vector.broadcast %mul3A_236 : f32 to vector<16xf32>
    %mul3A_238 = arith.mulf %mul3A_235, %mul3A_237 : vector<16xf32>
    %add3A_239 = arith.constant -0.00138888892 : f32
    %add3A_240 = vector.broadcast %add3A_239 : f32 to vector<16xf32>
    %add3A_241 = arith.addf %add3A_240, %mul3A_238 : vector<16xf32>
    %mul3A_242 = arith.mulf %mul3A_235, %add3A_241 : vector<16xf32>
    %add3A_243 = arith.constant 0.0416666679 : f32
    %add3A_244 = vector.broadcast %add3A_243 : f32 to vector<16xf32>
    %add3A_245 = arith.addf %add3A_244, %mul3A_242 : vector<16xf32>
    %mul3A_246 = arith.mulf %mul3A_235, %add3A_245 : vector<16xf32>
    %add3A_247 = arith.constant -5.000000e-01 : f32
    %add3A_248 = vector.broadcast %add3A_247 : f32 to vector<16xf32>
    %add3A_249 = arith.addf %add3A_248, %mul3A_246 : vector<16xf32>
    %mul3A_250 = arith.mulf %mul3A_235, %add3A_249 : vector<16xf32>
    %add3A_251 = arith.constant 1.000000e+00 : f32
    %add3A_252 = vector.broadcast %add3A_251 : f32 to vector<16xf32>
    %add3A_253 = arith.addf %add3A_252, %mul3A_250 : vector<16xf32>
    %mul3A_254 = arith.constant -1.98412701E-4 : f32
    %mul3A_255 = vector.broadcast %mul3A_254 : f32 to vector<16xf32>
    %mul3A_256 = arith.mulf %mul3A_235, %mul3A_255 : vector<16xf32>
    %add3A_257 = arith.constant 0.00833333377 : f32
    %add3A_258 = vector.broadcast %add3A_257 : f32 to vector<16xf32>
    %add3A_259 = arith.addf %add3A_258, %mul3A_256 : vector<16xf32>
    %mul3A_260 = arith.mulf %mul3A_235, %add3A_259 : vector<16xf32>
    %add3A_261 = arith.constant -0.166666672 : f32
    %add3A_262 = vector.broadcast %add3A_261 : f32 to vector<16xf32>
    %add3A_263 = arith.addf %add3A_262, %mul3A_260 : vector<16xf32>
    %mul3A_264 = arith.mulf %mul3A_235, %add3A_263 : vector<16xf32>
    %add3A_265 = arith.constant 1.000000e+00 : f32
    %add3A_266 = vector.broadcast %add3A_265 : f32 to vector<16xf32>
    %add3A_267 = arith.addf %add3A_266, %mul3A_264 : vector<16xf32>
    %mul3A_268 = arith.mulf %mul3A_234, %add3A_267 : vector<16xf32>
    %swap3A_269 = arith.constant 16 : index
    %swap3A_270 = tpu.vector_load %arg16[%swap3A_269] {strides = array<i32>} : memref<32xf32, #tpu.memory_space<vmem>>, vector<16xf32>,
    tpu.vector_store %arg16[%swap3A_269], %add3A_253 {strides = array<i32>} : memref<32xf32, #tpu.memory_space<vmem>>, vector<16xf32>,
    %swap3A_271 = arith.constant 16 : index
    %swap3A_272 = tpu.vector_load %arg17[%swap3A_271] {strides = array<i32>} : memref<32xf32, #tpu.memory_space<vmem>>, vector<16xf32>,
    tpu.vector_store %arg17[%swap3A_271], %mul3A_268 {strides = array<i32>} : memref<32xf32, #tpu.memory_space<vmem>>, vector<16xf32>,
    %add3A_273 = arith.constant 4.000000e-01 : f32
    %add3A_274 = vector.broadcast %add3A_273 : f32 to vector<16xf32>
    %add3A_275 = arith.addf %add3A_274, %mul3A_234 : vector<16xf32>
    %swap3A_276 = arith.constant 16 : index
    %swap3A_277 = tpu.vector_load %arg18[%swap3A_276] {strides = array<i32>} : memref<32xf32, #tpu.memory_space<vmem>>, vector<16xf32>,
    tpu.vector_store %arg18[%swap3A_276], %add3A_275 {strides = array<i32>} : memref<32xf32, #tpu.memory_space<vmem>>, vector<16xf32>,
    "tpu.region"() ({
      %run_scoped3A = tpu.sem_alloc : memref<!tpu.dma_semaphore, #tpu.memory_space<semaphore_mem>>
      %dma_start3A = tpu.memref_slice %arg5[%mul3A_2] : memref<1024xf32, #tpu.memory_space<hbm>> -> memref<32xf32, #tpu.memory_space<hbm>>
      %dma_start3A_280 = tpu.memref_slice %arg5[%mul3A_2] : memref<1024xf32, #tpu.memory_space<hbm>> -> memref<32xf32, #tpu.memory_space<hbm>>
      tpu.enqueue_dma source(%arg16 : memref<32xf32, #tpu.memory_space<vmem>>) target(%dma_start3A_280 : memref<32xf32, #tpu.memory_space<hbm>>) target_semaphore(%run_scoped3A : memref<!tpu.dma_semaphore, #tpu.memory_space<semaphore_mem>>)
      %dma_wait3A = tpu.memref_slice %arg5[%mul3A_2] : memref<1024xf32, #tpu.memory_space<hbm>> -> memref<32xf32, #tpu.memory_space<hbm>>
      %dma_wait3A_281 = tpu.memref_slice %arg5[%mul3A_2] : memref<1024xf32, #tpu.memory_space<hbm>> -> memref<32xf32, #tpu.memory_space<hbm>>
      tpu.wait_dma2 semaphore(%run_scoped3A : memref<!tpu.dma_semaphore, #tpu.memory_space<semaphore_mem>>) src(%arg16 : memref<32xf32, #tpu.memory_space<vmem>>) dst(%dma_wait3A_281 : memref<32xf32, #tpu.memory_space<hbm>>)
      tpu.yield
    }) : () -> ()
    "tpu.region"() ({
      %run_scoped3A = tpu.sem_alloc : memref<!tpu.dma_semaphore, #tpu.memory_space<semaphore_mem>>
      %dma_start3A = tpu.memref_slice %arg6[%mul3A_2] : memref<1024xf32, #tpu.memory_space<hbm>> -> memref<32xf32, #tpu.memory_space<hbm>>
      %dma_start3A_280 = tpu.memref_slice %arg6[%mul3A_2] : memref<1024xf32, #tpu.memory_space<hbm>> -> memref<32xf32, #tpu.memory_space<hbm>>
      tpu.enqueue_dma source(%arg17 : memref<32xf32, #tpu.memory_space<vmem>>) target(%dma_start3A_280 : memref<32xf32, #tpu.memory_space<hbm>>) target_semaphore(%run_scoped3A : memref<!tpu.dma_semaphore, #tpu.memory_space<semaphore_mem>>)
      %dma_wait3A = tpu.memref_slice %arg6[%mul3A_2] : memref<1024xf32, #tpu.memory_space<hbm>> -> memref<32xf32, #tpu.memory_space<hbm>>
      %dma_wait3A_281 = tpu.memref_slice %arg6[%mul3A_2] : memref<1024xf32, #tpu.memory_space<hbm>> -> memref<32xf32, #tpu.memory_space<hbm>>
      tpu.wait_dma2 semaphore(%run_scoped3A : memref<!tpu.dma_semaphore, #tpu.memory_space<semaphore_mem>>) src(%arg17 : memref<32xf32, #tpu.memory_space<vmem>>) dst(%dma_wait3A_281 : memref<32xf32, #tpu.memory_space<hbm>>)
      tpu.yield
    }) : () -> ()
    "tpu.region"() ({
      %run_scoped3A = tpu.sem_alloc : memref<!tpu.dma_semaphore, #tpu.memory_space<semaphore_mem>>
      %dma_start3A = tpu.memref_slice %arg7[%mul3A_2] : memref<1024xf32, #tpu.memory_space<hbm>> -> memref<32xf32, #tpu.memory_space<hbm>>
      %dma_start3A_280 = tpu.memref_slice %arg7[%mul3A_2] : memref<1024xf32, #tpu.memory_space<hbm>> -> memref<32xf32, #tpu.memory_space<hbm>>
      tpu.enqueue_dma source(%arg18 : memref<32xf32, #tpu.memory_space<vmem>>) target(%dma_start3A_280 : memref<32xf32, #tpu.memory_space<hbm>>) target_semaphore(%run_scoped3A : memref<!tpu.dma_semaphore, #tpu.memory_space<semaphore_mem>>)
      %dma_wait3A = tpu.memref_slice %arg7[%mul3A_2] : memref<1024xf32, #tpu.memory_space<hbm>> -> memref<32xf32, #tpu.memory_space<hbm>>
      %dma_wait3A_281 = tpu.memref_slice %arg7[%mul3A_2] : memref<1024xf32, #tpu.memory_space<hbm>> -> memref<32xf32, #tpu.memory_space<hbm>>
      tpu.wait_dma2 semaphore(%run_scoped3A : memref<!tpu.dma_semaphore, #tpu.memory_space<semaphore_mem>>) src(%arg18 : memref<32xf32, #tpu.memory_space<vmem>>) dst(%dma_wait3A_281 : memref<32xf32, #tpu.memory_space<hbm>>)
      tpu.yield
    }) : () -> ()
    %eq3A = arith.constant 0 : i32
    %eq3A_278 = arith.cmpi eq, %add3A, %eq3A : i32
    %convert_element_type3A = arith.extui %eq3A_278 : i1 to i32
    %cond3A = arith.constant 0 : i32
    %cond3A_279 = arith.cmpi ne, %convert_element_type3A, %cond3A : i32
    scf.if %cond3A_279 {
      "tpu.region"() ({
        %run_scoped3A = tpu.sem_alloc : memref<!tpu.dma_semaphore, #tpu.memory_space<semaphore_mem>>
        tpu.enqueue_dma source(%arg13 : memref<16xf32, #tpu.memory_space<vmem>>) target(%arg8 : memref<16xf32, #tpu.memory_space<hbm>>) target_semaphore(%run_scoped3A : memref<!tpu.dma_semaphore, #tpu.memory_space<semaphore_mem>>)
        tpu.wait_dma2 semaphore(%run_scoped3A : memref<!tpu.dma_semaphore, #tpu.memory_space<semaphore_mem>>) src(%arg13 : memref<16xf32, #tpu.memory_space<vmem>>) dst(%arg8 : memref<16xf32, #tpu.memory_space<hbm>>)
        tpu.yield
      }) : () -> ()
      "tpu.region"() ({
        %run_scoped3A = tpu.sem_alloc : memref<!tpu.dma_semaphore, #tpu.memory_space<semaphore_mem>>
        tpu.enqueue_dma source(%arg14 : memref<16xf32, #tpu.memory_space<vmem>>) target(%arg9 : memref<16xf32, #tpu.memory_space<hbm>>) target_semaphore(%run_scoped3A : memref<!tpu.dma_semaphore, #tpu.memory_space<semaphore_mem>>)
        tpu.wait_dma2 semaphore(%run_scoped3A : memref<!tpu.dma_semaphore, #tpu.memory_space<semaphore_mem>>) src(%arg14 : memref<16xf32, #tpu.memory_space<vmem>>) dst(%arg9 : memref<16xf32, #tpu.memory_space<hbm>>)
        tpu.yield
      }) : () -> ()
    } else {
    }
    return
  }
}

module attributes {stable_mosaic.version = 14 : i64} {
  func.func @_tc_body(%arg0: i32, %arg1: memref<8x128xi32, #tpu.memory_space<vmem>>, %arg2: memref<8x128xf32, #tpu.memory_space<vmem>>, %arg3: memref<8x128xf32, #tpu.memory_space<vmem>>, %arg4: memref<8x128xf32, #tpu.memory_space<vmem>>, %arg5: memref<12500x8x8x128xf32, #tpu.memory_space<any>>, %arg6: memref<12500x8x8x128xf32, #tpu.memory_space<any>>, %arg7: memref<125x8x8x128xf32, #tpu.memory_space<vmem>>, %arg8: memref<125x8x8x128xf32, #tpu.memory_space<vmem>>, %arg9: memref<125x8x8x128xf32, #tpu.memory_space<vmem>>, %arg10: memref<125x8x8x128xf32, #tpu.memory_space<vmem>>, %arg11: memref<125x8x8x128xf32, #tpu.memory_space<vmem>>, %arg12: memref<125x8x8x128xf32, #tpu.memory_space<vmem>>, %arg13: memref<125x8x8x128xf32, #tpu.memory_space<vmem>>, %arg14: memref<125x8x8x128xf32, #tpu.memory_space<vmem>>, %arg15: memref<!tpu.dma_semaphore, #tpu.memory_space<semaphore_mem>>, %arg16: memref<!tpu.dma_semaphore, #tpu.memory_space<semaphore_mem>>, %arg17: memref<!tpu.dma_semaphore, #tpu.memory_space<semaphore_mem>>, %arg18: memref<!tpu.dma_semaphore, #tpu.memory_space<semaphore_mem>>, %arg19: memref<!tpu.dma_semaphore, #tpu.memory_space<semaphore_mem>>, %arg20: memref<!tpu.dma_semaphore, #tpu.memory_space<semaphore_mem>>, %arg21: memref<!tpu.dma_semaphore, #tpu.memory_space<semaphore_mem>>, %arg22: memref<!tpu.dma_semaphore, #tpu.memory_space<semaphore_mem>>) attributes {dimension_semantics = [#tpu.dimension_semantics<arbitrary>], iteration_bounds = array<i64: 25>, scalar_prefetch = 0 : i64, scratch_operands = 16 : i64, tpu.core_type = #tpu.core_type<tc>, window_params = [{pipeline_mode = #tpu.pipeline_mode<synchronous>, transform_indices = @transform_0, window_bounds = array<i64: 8, 128>}, {pipeline_mode = #tpu.pipeline_mode<synchronous>, transform_indices = @transform_1, window_bounds = array<i64: 8, 128>}, {pipeline_mode = #tpu.pipeline_mode<synchronous>, transform_indices = @transform_2, window_bounds = array<i64: 8, 128>}, {pipeline_mode = #tpu.pipeline_mode<synchronous>, transform_indices = @transform_3, window_bounds = array<i64: 8, 128>}, {}, {}]} {
    %eq3A = arith.constant 0 : i32
    %eq3A_0 = arith.cmpi eq, %arg0, %eq3A : i32
    %convert_element_type3A = arith.extui %eq3A_0 : i1 to i32
    %cond3A = arith.constant 0 : i32
    %cond3A_1 = arith.cmpi ne, %convert_element_type3A, %cond3A : i32
    scf.if %cond3A_1 {
      %dma_start3A_370 = arith.constant 0 : i32
      %dma_start3A_371 = arith.constant 0 : i32
      %dma_start3A_372 = arith.constant 0 : i32
      %dma_start3A_373 = arith.constant 0 : i32
      %dma_start3A_374 = tpu.memref_slice %arg5[%dma_start3A_370, %dma_start3A_371, %dma_start3A_372, %dma_start3A_373] : memref<12500x8x8x128xf32, #tpu.memory_space<any>> -> memref<125x8x8x128xf32, #tpu.memory_space<any>>
      tpu.enqueue_dma source(%dma_start3A_374 : memref<125x8x8x128xf32, #tpu.memory_space<any>>) target(%arg7 : memref<125x8x8x128xf32, #tpu.memory_space<vmem>>) target_semaphore(%arg15 : memref<!tpu.dma_semaphore, #tpu.memory_space<semaphore_mem>>)
      %dma_start3A_375 = arith.constant 125 : i32
      %dma_start3A_376 = arith.constant 0 : i32
      %dma_start3A_377 = arith.constant 0 : i32
      %dma_start3A_378 = arith.constant 0 : i32
      %dma_start3A_379 = tpu.memref_slice %arg5[%dma_start3A_375, %dma_start3A_376, %dma_start3A_377, %dma_start3A_378] : memref<12500x8x8x128xf32, #tpu.memory_space<any>> -> memref<125x8x8x128xf32, #tpu.memory_space<any>>
      tpu.enqueue_dma source(%dma_start3A_379 : memref<125x8x8x128xf32, #tpu.memory_space<any>>) target(%arg8 : memref<125x8x8x128xf32, #tpu.memory_space<vmem>>) target_semaphore(%arg16 : memref<!tpu.dma_semaphore, #tpu.memory_space<semaphore_mem>>)
      %dma_start3A_380 = arith.constant 250 : i32
      %dma_start3A_381 = arith.constant 0 : i32
      %dma_start3A_382 = arith.constant 0 : i32
      %dma_start3A_383 = arith.constant 0 : i32
      %dma_start3A_384 = tpu.memref_slice %arg5[%dma_start3A_380, %dma_start3A_381, %dma_start3A_382, %dma_start3A_383] : memref<12500x8x8x128xf32, #tpu.memory_space<any>> -> memref<125x8x8x128xf32, #tpu.memory_space<any>>
      tpu.enqueue_dma source(%dma_start3A_384 : memref<125x8x8x128xf32, #tpu.memory_space<any>>) target(%arg9 : memref<125x8x8x128xf32, #tpu.memory_space<vmem>>) target_semaphore(%arg17 : memref<!tpu.dma_semaphore, #tpu.memory_space<semaphore_mem>>)
      %dma_start3A_385 = arith.constant 375 : i32
      %dma_start3A_386 = arith.constant 0 : i32
      %dma_start3A_387 = arith.constant 0 : i32
      %dma_start3A_388 = arith.constant 0 : i32
      %dma_start3A_389 = tpu.memref_slice %arg5[%dma_start3A_385, %dma_start3A_386, %dma_start3A_387, %dma_start3A_388] : memref<12500x8x8x128xf32, #tpu.memory_space<any>> -> memref<125x8x8x128xf32, #tpu.memory_space<any>>
      tpu.enqueue_dma source(%dma_start3A_389 : memref<125x8x8x128xf32, #tpu.memory_space<any>>) target(%arg10 : memref<125x8x8x128xf32, #tpu.memory_space<vmem>>) target_semaphore(%arg18 : memref<!tpu.dma_semaphore, #tpu.memory_space<semaphore_mem>>)
    } else {
    }
    %mul3A = arith.constant 4 : i32
    %mul3A_2 = arith.muli %arg0, %mul3A : i32
    %add3A = arith.constant 0 : i32
    %add3A_3 = arith.addi %mul3A_2, %add3A : i32
    %mul3A_4 = arith.constant 125 : i32
    %mul3A_5 = arith.muli %add3A_3, %mul3A_4 : i32
    %dma_wait3A = arith.constant 0 : i32
    %dma_wait3A_6 = arith.constant 0 : i32
    %dma_wait3A_7 = arith.constant 0 : i32
    %dma_wait3A_8 = tpu.memref_slice %arg5[%mul3A_5, %dma_wait3A, %dma_wait3A_6, %dma_wait3A_7] : memref<12500x8x8x128xf32, #tpu.memory_space<any>> -> memref<125x8x8x128xf32, #tpu.memory_space<any>>
    tpu.wait_dma2 semaphore(%arg15 : memref<!tpu.dma_semaphore, #tpu.memory_space<semaphore_mem>>) src(%dma_wait3A_8 : memref<125x8x8x128xf32, #tpu.memory_space<any>>) dst(%arg7 : memref<125x8x8x128xf32, #tpu.memory_space<vmem>>)
    %gt3A = arith.constant 0 : i32
    %gt3A_9 = arith.cmpi sgt, %arg0, %gt3A : i32
    %convert_element_type3A_10 = arith.extui %gt3A_9 : i1 to i32
    %cond3A_11 = arith.constant 0 : i32
    %cond3A_12 = arith.cmpi ne, %convert_element_type3A_10, %cond3A_11 : i32
    scf.if %cond3A_12 {
      %sub3A_370 = arith.constant 4 : i32
      %sub3A_371 = arith.subi %add3A_3, %sub3A_370 : i32
      %mul3A_372 = arith.constant 125 : i32
      %mul3A_373 = arith.muli %sub3A_371, %mul3A_372 : i32
      %dma_wait3A_374 = arith.constant 0 : i32
      %dma_wait3A_375 = arith.constant 0 : i32
      %dma_wait3A_376 = arith.constant 0 : i32
      %dma_wait3A_377 = tpu.memref_slice %arg6[%mul3A_373, %dma_wait3A_374, %dma_wait3A_375, %dma_wait3A_376] : memref<12500x8x8x128xf32, #tpu.memory_space<any>> -> memref<125x8x8x128xf32, #tpu.memory_space<any>>
      tpu.wait_dma2 semaphore(%arg19 : memref<!tpu.dma_semaphore, #tpu.memory_space<semaphore_mem>>) src(%arg11 : memref<125x8x8x128xf32, #tpu.memory_space<vmem>>) dst(%dma_wait3A_377 : memref<125x8x8x128xf32, #tpu.memory_space<any>>)
    } else {
    }
    %get3A = arith.constant 0 : index
    %get3A_13 = arith.constant 0 : index
    %get3A_14 = arith.constant 0 : index
    %get3A_15 = arith.constant 0 : index
    %get3A_16 = vector.load %arg7[%get3A, %get3A_13, %get3A_14, %get3A_15] : memref<125x8x8x128xf32, #tpu.memory_space<vmem>>, vector<125x8x8x128xf32>
    %get3A_17 = arith.constant 0 : index
    %get3A_18 = arith.constant 0 : index
    %get3A_19 = vector.load %arg1[%get3A_17, %get3A_18] : memref<8x128xi32, #tpu.memory_space<vmem>>, vector<8x128xi32>
    %reshape3A = vector.shape_cast %get3A_19 : vector<8x128xi32> to vector<1x8x1x128xi32>
    %get3A_20 = arith.constant 0 : index
    %get3A_21 = arith.constant 0 : index
    %get3A_22 = vector.load %arg2[%get3A_20, %get3A_21] : memref<8x128xf32, #tpu.memory_space<vmem>>, vector<8x128xf32>
    %reshape3A_23 = vector.shape_cast %get3A_22 : vector<8x128xf32> to vector<1x8x1x128xf32>
    %get3A_24 = arith.constant 0 : index
    %get3A_25 = arith.constant 0 : index
    %get3A_26 = vector.load %arg3[%get3A_24, %get3A_25] : memref<8x128xf32, #tpu.memory_space<vmem>>, vector<8x128xf32>
    %reshape3A_27 = vector.shape_cast %get3A_26 : vector<8x128xf32> to vector<1x8x1x128xf32>
    %get3A_28 = arith.constant 0 : index
    %get3A_29 = arith.constant 0 : index
    %get3A_30 = vector.load %arg4[%get3A_28, %get3A_29] : memref<8x128xf32, #tpu.memory_space<vmem>>, vector<8x128xf32>
    %reshape3A_31 = vector.shape_cast %get3A_30 : vector<8x128xf32> to vector<1x8x1x128xf32>
    %iota3A = tpu.iota {dimensions = array<i32: 0>} : vector<125x1x8x1xi32>
    %iota3A_32 = tpu.iota {dimensions = array<i32: 2>} : vector<125x1x8x1xi32>
    %mul3A_33 = arith.constant 125 : i32
    %mul3A_34 = arith.muli %add3A_3, %mul3A_33 : i32
    %add3A_35 = vector.broadcast %mul3A_34 : i32 to vector<125x1x8x1xi32>
    %add3A_36 = arith.addi %add3A_35, %iota3A : vector<125x1x8x1xi32>
    %mul3A_37 = arith.constant 8 : i32
    %mul3A_38 = vector.broadcast %mul3A_37 : i32 to vector<125x1x8x1xi32>
    %mul3A_39 = arith.muli %add3A_36, %mul3A_38 : vector<125x1x8x1xi32>
    %add3A_40 = arith.addi %mul3A_39, %iota3A_32 : vector<125x1x8x1xi32>
    %eq3A_41 = vector.broadcast %add3A_40 : vector<125x1x8x1xi32> to vector<125x8x8x128xi32>
    %eq3A_42 = vector.broadcast %reshape3A : vector<1x8x1x128xi32> to vector<125x8x8x128xi32>
    %eq3A_43 = arith.cmpi eq, %eq3A_41, %eq3A_42 : vector<125x8x8x128xi32>
    %jit3A = arith.constant 0.000000e+00 : f32
    %broadcast_in_dim3A = vector.broadcast %jit3A : f32 to vector<125x8x8x128xf32>
    %select_n3A = arith.select %eq3A_43, %get3A_16, %broadcast_in_dim3A : vector<125x8x8x128xi1>, vector<125x8x8x128xf32>
    %reduce_sum3A = arith.constant dense<0.000000e+00> : vector<8x8x128xf32>
    %reduce_sum3A_44 = vector.multi_reduction <add>, %select_n3A, %reduce_sum3A [0] : vector<125x8x8x128xf32> to vector<8x8x128xf32>
    %broadcast_in_dim3A_45 = vector.shape_cast %reduce_sum3A_44 : vector<8x8x128xf32> to vector<1x8x8x128xf32>
    %reduce_sum3A_46 = arith.constant dense<0.000000e+00> : vector<1x8x128xf32>
    %reduce_sum3A_47 = vector.multi_reduction <add>, %broadcast_in_dim3A_45, %reduce_sum3A_46 [2] : vector<1x8x8x128xf32> to vector<1x8x128xf32>
    %broadcast_in_dim3A_48 = vector.shape_cast %reduce_sum3A_47 : vector<1x8x128xf32> to vector<1x8x1x128xf32>
    %mul3A_49 = arith.mulf %broadcast_in_dim3A_48, %broadcast_in_dim3A_48 : vector<1x8x1x128xf32>
    %sub3A = arith.constant 1.000000e+00 : f32
    %sub3A_50 = vector.broadcast %sub3A : f32 to vector<1x8x1x128xf32>
    %sub3A_51 = arith.subf %sub3A_50, %mul3A_49 : vector<1x8x1x128xf32>
    %max3A = arith.constant 0.000000e+00 : f32
    %max3A_52 = vector.broadcast %max3A : f32 to vector<1x8x1x128xf32>
    %max3A_53 = arith.maximumf %sub3A_51, %max3A_52 : vector<1x8x1x128xf32>
    %sqrt3A = math.sqrt %max3A_53 : vector<1x8x1x128xf32>
    %mul3A_54 = arith.mulf %broadcast_in_dim3A_48, %reshape3A_23 : vector<1x8x1x128xf32>
    %mul3A_55 = arith.mulf %sqrt3A, %reshape3A_27 : vector<1x8x1x128xf32>
    %add3A_56 = arith.addf %mul3A_54, %mul3A_55 : vector<1x8x1x128xf32>
    %sub3A_57 = arith.subf %add3A_56, %reshape3A_31 : vector<1x8x1x128xf32>
    %mul3A_58 = arith.constant 6.400000e+01 : f32
    %mul3A_59 = vector.broadcast %mul3A_58 : f32 to vector<1x8x1x128xf32>
    %mul3A_60 = arith.mulf %sub3A_57, %mul3A_59 : vector<1x8x1x128xf32>
    %mul3A_61 = arith.constant 6.400000e+01 : f32
    %mul3A_62 = vector.broadcast %mul3A_61 : f32 to vector<125x8x8x128xf32>
    %mul3A_63 = arith.mulf %get3A_16, %mul3A_62 : vector<125x8x8x128xf32>
    %broadcast_in_dim3A_64 = vector.shape_cast %mul3A_60 : vector<1x8x1x128xf32> to vector<1x8x1x128xf32>
    %broadcast_in_dim3A_65 = vector.broadcast %broadcast_in_dim3A_64 : vector<1x8x1x128xf32> to vector<125x8x8x128xf32>
    %select_n3A_66 = arith.select %eq3A_43, %broadcast_in_dim3A_65, %mul3A_63 : vector<125x8x8x128xi1>, vector<125x8x8x128xf32>
    %swap3A = arith.constant 0 : index
    %swap3A_67 = arith.constant 0 : index
    %swap3A_68 = arith.constant 0 : index
    %swap3A_69 = arith.constant 0 : index
    %swap3A_70 = vector.load %arg11[%swap3A, %swap3A_67, %swap3A_68, %swap3A_69] : memref<125x8x8x128xf32, #tpu.memory_space<vmem>>, vector<125x8x8x128xf32>
    tpu.vector_store %arg11[%swap3A, %swap3A_67, %swap3A_68, %swap3A_69], %select_n3A_66 {strides = array<i32>} : memref<125x8x8x128xf32, #tpu.memory_space<vmem>>, vector<125x8x8x128xf32>,
    %mul3A_71 = arith.constant 125 : i32
    %mul3A_72 = arith.muli %add3A_3, %mul3A_71 : i32
    %dma_start3A = arith.constant 0 : i32
    %dma_start3A_73 = arith.constant 0 : i32
    %dma_start3A_74 = arith.constant 0 : i32
    %dma_start3A_75 = tpu.memref_slice %arg6[%mul3A_72, %dma_start3A, %dma_start3A_73, %dma_start3A_74] : memref<12500x8x8x128xf32, #tpu.memory_space<any>> -> memref<125x8x8x128xf32, #tpu.memory_space<any>>
    tpu.enqueue_dma source(%arg11 : memref<125x8x8x128xf32, #tpu.memory_space<vmem>>) target(%dma_start3A_75 : memref<125x8x8x128xf32, #tpu.memory_space<any>>) target_semaphore(%arg19 : memref<!tpu.dma_semaphore, #tpu.memory_space<semaphore_mem>>)
    %lt3A = arith.constant 24 : i32
    %lt3A_76 = arith.cmpi slt, %arg0, %lt3A : i32
    %convert_element_type3A_77 = arith.extui %lt3A_76 : i1 to i32
    %cond3A_78 = arith.constant 0 : i32
    %cond3A_79 = arith.cmpi ne, %convert_element_type3A_77, %cond3A_78 : i32
    scf.if %cond3A_79 {
      %add3A_370 = arith.constant 4 : i32
      %add3A_371 = arith.addi %add3A_3, %add3A_370 : i32
      %mul3A_372 = arith.constant 125 : i32
      %mul3A_373 = arith.muli %add3A_371, %mul3A_372 : i32
      %dma_start3A_374 = arith.constant 0 : i32
      %dma_start3A_375 = arith.constant 0 : i32
      %dma_start3A_376 = arith.constant 0 : i32
      %dma_start3A_377 = tpu.memref_slice %arg5[%mul3A_373, %dma_start3A_374, %dma_start3A_375, %dma_start3A_376] : memref<12500x8x8x128xf32, #tpu.memory_space<any>> -> memref<125x8x8x128xf32, #tpu.memory_space<any>>
      tpu.enqueue_dma source(%dma_start3A_377 : memref<125x8x8x128xf32, #tpu.memory_space<any>>) target(%arg7 : memref<125x8x8x128xf32, #tpu.memory_space<vmem>>) target_semaphore(%arg15 : memref<!tpu.dma_semaphore, #tpu.memory_space<semaphore_mem>>)
    } else {
    }
    %mul3A_80 = arith.constant 4 : i32
    %mul3A_81 = arith.muli %arg0, %mul3A_80 : i32
    %add3A_82 = arith.constant 1 : i32
    %add3A_83 = arith.addi %mul3A_81, %add3A_82 : i32
    %mul3A_84 = arith.constant 125 : i32
    %mul3A_85 = arith.muli %add3A_83, %mul3A_84 : i32
    %dma_wait3A_86 = arith.constant 0 : i32
    %dma_wait3A_87 = arith.constant 0 : i32
    %dma_wait3A_88 = arith.constant 0 : i32
    %dma_wait3A_89 = tpu.memref_slice %arg5[%mul3A_85, %dma_wait3A_86, %dma_wait3A_87, %dma_wait3A_88] : memref<12500x8x8x128xf32, #tpu.memory_space<any>> -> memref<125x8x8x128xf32, #tpu.memory_space<any>>
    tpu.wait_dma2 semaphore(%arg16 : memref<!tpu.dma_semaphore, #tpu.memory_space<semaphore_mem>>) src(%dma_wait3A_89 : memref<125x8x8x128xf32, #tpu.memory_space<any>>) dst(%arg8 : memref<125x8x8x128xf32, #tpu.memory_space<vmem>>)
    %gt3A_90 = arith.constant 0 : i32
    %gt3A_91 = arith.cmpi sgt, %arg0, %gt3A_90 : i32
    %convert_element_type3A_92 = arith.extui %gt3A_91 : i1 to i32
    %cond3A_93 = arith.constant 0 : i32
    %cond3A_94 = arith.cmpi ne, %convert_element_type3A_92, %cond3A_93 : i32
    scf.if %cond3A_94 {
      %sub3A_370 = arith.constant 4 : i32
      %sub3A_371 = arith.subi %add3A_83, %sub3A_370 : i32
      %mul3A_372 = arith.constant 125 : i32
      %mul3A_373 = arith.muli %sub3A_371, %mul3A_372 : i32
      %dma_wait3A_374 = arith.constant 0 : i32
      %dma_wait3A_375 = arith.constant 0 : i32
      %dma_wait3A_376 = arith.constant 0 : i32
      %dma_wait3A_377 = tpu.memref_slice %arg6[%mul3A_373, %dma_wait3A_374, %dma_wait3A_375, %dma_wait3A_376] : memref<12500x8x8x128xf32, #tpu.memory_space<any>> -> memref<125x8x8x128xf32, #tpu.memory_space<any>>
      tpu.wait_dma2 semaphore(%arg20 : memref<!tpu.dma_semaphore, #tpu.memory_space<semaphore_mem>>) src(%arg12 : memref<125x8x8x128xf32, #tpu.memory_space<vmem>>) dst(%dma_wait3A_377 : memref<125x8x8x128xf32, #tpu.memory_space<any>>)
    } else {
    }
    %get3A_95 = arith.constant 0 : index
    %get3A_96 = arith.constant 0 : index
    %get3A_97 = arith.constant 0 : index
    %get3A_98 = arith.constant 0 : index
    %get3A_99 = vector.load %arg8[%get3A_95, %get3A_96, %get3A_97, %get3A_98] : memref<125x8x8x128xf32, #tpu.memory_space<vmem>>, vector<125x8x8x128xf32>
    %get3A_100 = arith.constant 0 : index
    %get3A_101 = arith.constant 0 : index
    %get3A_102 = vector.load %arg1[%get3A_100, %get3A_101] : memref<8x128xi32, #tpu.memory_space<vmem>>, vector<8x128xi32>
    %reshape3A_103 = vector.shape_cast %get3A_102 : vector<8x128xi32> to vector<1x8x1x128xi32>
    %get3A_104 = arith.constant 0 : index
    %get3A_105 = arith.constant 0 : index
    %get3A_106 = vector.load %arg2[%get3A_104, %get3A_105] : memref<8x128xf32, #tpu.memory_space<vmem>>, vector<8x128xf32>
    %reshape3A_107 = vector.shape_cast %get3A_106 : vector<8x128xf32> to vector<1x8x1x128xf32>
    %get3A_108 = arith.constant 0 : index
    %get3A_109 = arith.constant 0 : index
    %get3A_110 = vector.load %arg3[%get3A_108, %get3A_109] : memref<8x128xf32, #tpu.memory_space<vmem>>, vector<8x128xf32>
    %reshape3A_111 = vector.shape_cast %get3A_110 : vector<8x128xf32> to vector<1x8x1x128xf32>
    %get3A_112 = arith.constant 0 : index
    %get3A_113 = arith.constant 0 : index
    %get3A_114 = vector.load %arg4[%get3A_112, %get3A_113] : memref<8x128xf32, #tpu.memory_space<vmem>>, vector<8x128xf32>
    %reshape3A_115 = vector.shape_cast %get3A_114 : vector<8x128xf32> to vector<1x8x1x128xf32>
    %iota3A_116 = tpu.iota {dimensions = array<i32: 0>} : vector<125x1x8x1xi32>
    %iota3A_117 = tpu.iota {dimensions = array<i32: 2>} : vector<125x1x8x1xi32>
    %mul3A_118 = arith.constant 125 : i32
    %mul3A_119 = arith.muli %add3A_83, %mul3A_118 : i32
    %add3A_120 = vector.broadcast %mul3A_119 : i32 to vector<125x1x8x1xi32>
    %add3A_121 = arith.addi %add3A_120, %iota3A_116 : vector<125x1x8x1xi32>
    %mul3A_122 = arith.constant 8 : i32
    %mul3A_123 = vector.broadcast %mul3A_122 : i32 to vector<125x1x8x1xi32>
    %mul3A_124 = arith.muli %add3A_121, %mul3A_123 : vector<125x1x8x1xi32>
    %add3A_125 = arith.addi %mul3A_124, %iota3A_117 : vector<125x1x8x1xi32>
    %eq3A_126 = vector.broadcast %add3A_125 : vector<125x1x8x1xi32> to vector<125x8x8x128xi32>
    %eq3A_127 = vector.broadcast %reshape3A_103 : vector<1x8x1x128xi32> to vector<125x8x8x128xi32>
    %eq3A_128 = arith.cmpi eq, %eq3A_126, %eq3A_127 : vector<125x8x8x128xi32>
    %jit3A_129 = arith.constant 0.000000e+00 : f32
    %broadcast_in_dim3A_130 = vector.broadcast %jit3A_129 : f32 to vector<125x8x8x128xf32>
    %select_n3A_131 = arith.select %eq3A_128, %get3A_99, %broadcast_in_dim3A_130 : vector<125x8x8x128xi1>, vector<125x8x8x128xf32>
    %reduce_sum3A_132 = arith.constant dense<0.000000e+00> : vector<8x8x128xf32>
    %reduce_sum3A_133 = vector.multi_reduction <add>, %select_n3A_131, %reduce_sum3A_132 [0] : vector<125x8x8x128xf32> to vector<8x8x128xf32>
    %broadcast_in_dim3A_134 = vector.shape_cast %reduce_sum3A_133 : vector<8x8x128xf32> to vector<1x8x8x128xf32>
    %reduce_sum3A_135 = arith.constant dense<0.000000e+00> : vector<1x8x128xf32>
    %reduce_sum3A_136 = vector.multi_reduction <add>, %broadcast_in_dim3A_134, %reduce_sum3A_135 [2] : vector<1x8x8x128xf32> to vector<1x8x128xf32>
    %broadcast_in_dim3A_137 = vector.shape_cast %reduce_sum3A_136 : vector<1x8x128xf32> to vector<1x8x1x128xf32>
    %mul3A_138 = arith.mulf %broadcast_in_dim3A_137, %broadcast_in_dim3A_137 : vector<1x8x1x128xf32>
    %sub3A_139 = arith.constant 1.000000e+00 : f32
    %sub3A_140 = vector.broadcast %sub3A_139 : f32 to vector<1x8x1x128xf32>
    %sub3A_141 = arith.subf %sub3A_140, %mul3A_138 : vector<1x8x1x128xf32>
    %max3A_142 = arith.constant 0.000000e+00 : f32
    %max3A_143 = vector.broadcast %max3A_142 : f32 to vector<1x8x1x128xf32>
    %max3A_144 = arith.maximumf %sub3A_141, %max3A_143 : vector<1x8x1x128xf32>
    %sqrt3A_145 = math.sqrt %max3A_144 : vector<1x8x1x128xf32>
    %mul3A_146 = arith.mulf %broadcast_in_dim3A_137, %reshape3A_107 : vector<1x8x1x128xf32>
    %mul3A_147 = arith.mulf %sqrt3A_145, %reshape3A_111 : vector<1x8x1x128xf32>
    %add3A_148 = arith.addf %mul3A_146, %mul3A_147 : vector<1x8x1x128xf32>
    %sub3A_149 = arith.subf %add3A_148, %reshape3A_115 : vector<1x8x1x128xf32>
    %mul3A_150 = arith.constant 6.400000e+01 : f32
    %mul3A_151 = vector.broadcast %mul3A_150 : f32 to vector<1x8x1x128xf32>
    %mul3A_152 = arith.mulf %sub3A_149, %mul3A_151 : vector<1x8x1x128xf32>
    %mul3A_153 = arith.constant 6.400000e+01 : f32
    %mul3A_154 = vector.broadcast %mul3A_153 : f32 to vector<125x8x8x128xf32>
    %mul3A_155 = arith.mulf %get3A_99, %mul3A_154 : vector<125x8x8x128xf32>
    %broadcast_in_dim3A_156 = vector.shape_cast %mul3A_152 : vector<1x8x1x128xf32> to vector<1x8x1x128xf32>
    %broadcast_in_dim3A_157 = vector.broadcast %broadcast_in_dim3A_156 : vector<1x8x1x128xf32> to vector<125x8x8x128xf32>
    %select_n3A_158 = arith.select %eq3A_128, %broadcast_in_dim3A_157, %mul3A_155 : vector<125x8x8x128xi1>, vector<125x8x8x128xf32>
    %swap3A_159 = arith.constant 0 : index
    %swap3A_160 = arith.constant 0 : index
    %swap3A_161 = arith.constant 0 : index
    %swap3A_162 = arith.constant 0 : index
    %swap3A_163 = vector.load %arg12[%swap3A_159, %swap3A_160, %swap3A_161, %swap3A_162] : memref<125x8x8x128xf32, #tpu.memory_space<vmem>>, vector<125x8x8x128xf32>
    tpu.vector_store %arg12[%swap3A_159, %swap3A_160, %swap3A_161, %swap3A_162], %select_n3A_158 {strides = array<i32>} : memref<125x8x8x128xf32, #tpu.memory_space<vmem>>, vector<125x8x8x128xf32>,
    %mul3A_164 = arith.constant 125 : i32
    %mul3A_165 = arith.muli %add3A_83, %mul3A_164 : i32
    %dma_start3A_166 = arith.constant 0 : i32
    %dma_start3A_167 = arith.constant 0 : i32
    %dma_start3A_168 = arith.constant 0 : i32
    %dma_start3A_169 = tpu.memref_slice %arg6[%mul3A_165, %dma_start3A_166, %dma_start3A_167, %dma_start3A_168] : memref<12500x8x8x128xf32, #tpu.memory_space<any>> -> memref<125x8x8x128xf32, #tpu.memory_space<any>>
    tpu.enqueue_dma source(%arg12 : memref<125x8x8x128xf32, #tpu.memory_space<vmem>>) target(%dma_start3A_169 : memref<125x8x8x128xf32, #tpu.memory_space<any>>) target_semaphore(%arg20 : memref<!tpu.dma_semaphore, #tpu.memory_space<semaphore_mem>>)
    %lt3A_170 = arith.constant 24 : i32
    %lt3A_171 = arith.cmpi slt, %arg0, %lt3A_170 : i32
    %convert_element_type3A_172 = arith.extui %lt3A_171 : i1 to i32
    %cond3A_173 = arith.constant 0 : i32
    %cond3A_174 = arith.cmpi ne, %convert_element_type3A_172, %cond3A_173 : i32
    scf.if %cond3A_174 {
      %add3A_370 = arith.constant 4 : i32
      %add3A_371 = arith.addi %add3A_83, %add3A_370 : i32
      %mul3A_372 = arith.constant 125 : i32
      %mul3A_373 = arith.muli %add3A_371, %mul3A_372 : i32
      %dma_start3A_374 = arith.constant 0 : i32
      %dma_start3A_375 = arith.constant 0 : i32
      %dma_start3A_376 = arith.constant 0 : i32
      %dma_start3A_377 = tpu.memref_slice %arg5[%mul3A_373, %dma_start3A_374, %dma_start3A_375, %dma_start3A_376] : memref<12500x8x8x128xf32, #tpu.memory_space<any>> -> memref<125x8x8x128xf32, #tpu.memory_space<any>>
      tpu.enqueue_dma source(%dma_start3A_377 : memref<125x8x8x128xf32, #tpu.memory_space<any>>) target(%arg8 : memref<125x8x8x128xf32, #tpu.memory_space<vmem>>) target_semaphore(%arg16 : memref<!tpu.dma_semaphore, #tpu.memory_space<semaphore_mem>>)
    } else {
    }
    %mul3A_175 = arith.constant 4 : i32
    %mul3A_176 = arith.muli %arg0, %mul3A_175 : i32
    %add3A_177 = arith.constant 2 : i32
    %add3A_178 = arith.addi %mul3A_176, %add3A_177 : i32
    %mul3A_179 = arith.constant 125 : i32
    %mul3A_180 = arith.muli %add3A_178, %mul3A_179 : i32
    %dma_wait3A_181 = arith.constant 0 : i32
    %dma_wait3A_182 = arith.constant 0 : i32
    %dma_wait3A_183 = arith.constant 0 : i32
    %dma_wait3A_184 = tpu.memref_slice %arg5[%mul3A_180, %dma_wait3A_181, %dma_wait3A_182, %dma_wait3A_183] : memref<12500x8x8x128xf32, #tpu.memory_space<any>> -> memref<125x8x8x128xf32, #tpu.memory_space<any>>
    tpu.wait_dma2 semaphore(%arg17 : memref<!tpu.dma_semaphore, #tpu.memory_space<semaphore_mem>>) src(%dma_wait3A_184 : memref<125x8x8x128xf32, #tpu.memory_space<any>>) dst(%arg9 : memref<125x8x8x128xf32, #tpu.memory_space<vmem>>)
    %gt3A_185 = arith.constant 0 : i32
    %gt3A_186 = arith.cmpi sgt, %arg0, %gt3A_185 : i32
    %convert_element_type3A_187 = arith.extui %gt3A_186 : i1 to i32
    %cond3A_188 = arith.constant 0 : i32
    %cond3A_189 = arith.cmpi ne, %convert_element_type3A_187, %cond3A_188 : i32
    scf.if %cond3A_189 {
      %sub3A_370 = arith.constant 4 : i32
      %sub3A_371 = arith.subi %add3A_178, %sub3A_370 : i32
      %mul3A_372 = arith.constant 125 : i32
      %mul3A_373 = arith.muli %sub3A_371, %mul3A_372 : i32
      %dma_wait3A_374 = arith.constant 0 : i32
      %dma_wait3A_375 = arith.constant 0 : i32
      %dma_wait3A_376 = arith.constant 0 : i32
      %dma_wait3A_377 = tpu.memref_slice %arg6[%mul3A_373, %dma_wait3A_374, %dma_wait3A_375, %dma_wait3A_376] : memref<12500x8x8x128xf32, #tpu.memory_space<any>> -> memref<125x8x8x128xf32, #tpu.memory_space<any>>
      tpu.wait_dma2 semaphore(%arg21 : memref<!tpu.dma_semaphore, #tpu.memory_space<semaphore_mem>>) src(%arg13 : memref<125x8x8x128xf32, #tpu.memory_space<vmem>>) dst(%dma_wait3A_377 : memref<125x8x8x128xf32, #tpu.memory_space<any>>)
    } else {
    }
    %get3A_190 = arith.constant 0 : index
    %get3A_191 = arith.constant 0 : index
    %get3A_192 = arith.constant 0 : index
    %get3A_193 = arith.constant 0 : index
    %get3A_194 = vector.load %arg9[%get3A_190, %get3A_191, %get3A_192, %get3A_193] : memref<125x8x8x128xf32, #tpu.memory_space<vmem>>, vector<125x8x8x128xf32>
    %get3A_195 = arith.constant 0 : index
    %get3A_196 = arith.constant 0 : index
    %get3A_197 = vector.load %arg1[%get3A_195, %get3A_196] : memref<8x128xi32, #tpu.memory_space<vmem>>, vector<8x128xi32>
    %reshape3A_198 = vector.shape_cast %get3A_197 : vector<8x128xi32> to vector<1x8x1x128xi32>
    %get3A_199 = arith.constant 0 : index
    %get3A_200 = arith.constant 0 : index
    %get3A_201 = vector.load %arg2[%get3A_199, %get3A_200] : memref<8x128xf32, #tpu.memory_space<vmem>>, vector<8x128xf32>
    %reshape3A_202 = vector.shape_cast %get3A_201 : vector<8x128xf32> to vector<1x8x1x128xf32>
    %get3A_203 = arith.constant 0 : index
    %get3A_204 = arith.constant 0 : index
    %get3A_205 = vector.load %arg3[%get3A_203, %get3A_204] : memref<8x128xf32, #tpu.memory_space<vmem>>, vector<8x128xf32>
    %reshape3A_206 = vector.shape_cast %get3A_205 : vector<8x128xf32> to vector<1x8x1x128xf32>
    %get3A_207 = arith.constant 0 : index
    %get3A_208 = arith.constant 0 : index
    %get3A_209 = vector.load %arg4[%get3A_207, %get3A_208] : memref<8x128xf32, #tpu.memory_space<vmem>>, vector<8x128xf32>
    %reshape3A_210 = vector.shape_cast %get3A_209 : vector<8x128xf32> to vector<1x8x1x128xf32>
    %iota3A_211 = tpu.iota {dimensions = array<i32: 0>} : vector<125x1x8x1xi32>
    %iota3A_212 = tpu.iota {dimensions = array<i32: 2>} : vector<125x1x8x1xi32>
    %mul3A_213 = arith.constant 125 : i32
    %mul3A_214 = arith.muli %add3A_178, %mul3A_213 : i32
    %add3A_215 = vector.broadcast %mul3A_214 : i32 to vector<125x1x8x1xi32>
    %add3A_216 = arith.addi %add3A_215, %iota3A_211 : vector<125x1x8x1xi32>
    %mul3A_217 = arith.constant 8 : i32
    %mul3A_218 = vector.broadcast %mul3A_217 : i32 to vector<125x1x8x1xi32>
    %mul3A_219 = arith.muli %add3A_216, %mul3A_218 : vector<125x1x8x1xi32>
    %add3A_220 = arith.addi %mul3A_219, %iota3A_212 : vector<125x1x8x1xi32>
    %eq3A_221 = vector.broadcast %add3A_220 : vector<125x1x8x1xi32> to vector<125x8x8x128xi32>
    %eq3A_222 = vector.broadcast %reshape3A_198 : vector<1x8x1x128xi32> to vector<125x8x8x128xi32>
    %eq3A_223 = arith.cmpi eq, %eq3A_221, %eq3A_222 : vector<125x8x8x128xi32>
    %jit3A_224 = arith.constant 0.000000e+00 : f32
    %broadcast_in_dim3A_225 = vector.broadcast %jit3A_224 : f32 to vector<125x8x8x128xf32>
    %select_n3A_226 = arith.select %eq3A_223, %get3A_194, %broadcast_in_dim3A_225 : vector<125x8x8x128xi1>, vector<125x8x8x128xf32>
    %reduce_sum3A_227 = arith.constant dense<0.000000e+00> : vector<8x8x128xf32>
    %reduce_sum3A_228 = vector.multi_reduction <add>, %select_n3A_226, %reduce_sum3A_227 [0] : vector<125x8x8x128xf32> to vector<8x8x128xf32>
    %broadcast_in_dim3A_229 = vector.shape_cast %reduce_sum3A_228 : vector<8x8x128xf32> to vector<1x8x8x128xf32>
    %reduce_sum3A_230 = arith.constant dense<0.000000e+00> : vector<1x8x128xf32>
    %reduce_sum3A_231 = vector.multi_reduction <add>, %broadcast_in_dim3A_229, %reduce_sum3A_230 [2] : vector<1x8x8x128xf32> to vector<1x8x128xf32>
    %broadcast_in_dim3A_232 = vector.shape_cast %reduce_sum3A_231 : vector<1x8x128xf32> to vector<1x8x1x128xf32>
    %mul3A_233 = arith.mulf %broadcast_in_dim3A_232, %broadcast_in_dim3A_232 : vector<1x8x1x128xf32>
    %sub3A_234 = arith.constant 1.000000e+00 : f32
    %sub3A_235 = vector.broadcast %sub3A_234 : f32 to vector<1x8x1x128xf32>
    %sub3A_236 = arith.subf %sub3A_235, %mul3A_233 : vector<1x8x1x128xf32>
    %max3A_237 = arith.constant 0.000000e+00 : f32
    %max3A_238 = vector.broadcast %max3A_237 : f32 to vector<1x8x1x128xf32>
    %max3A_239 = arith.maximumf %sub3A_236, %max3A_238 : vector<1x8x1x128xf32>
    %sqrt3A_240 = math.sqrt %max3A_239 : vector<1x8x1x128xf32>
    %mul3A_241 = arith.mulf %broadcast_in_dim3A_232, %reshape3A_202 : vector<1x8x1x128xf32>
    %mul3A_242 = arith.mulf %sqrt3A_240, %reshape3A_206 : vector<1x8x1x128xf32>
    %add3A_243 = arith.addf %mul3A_241, %mul3A_242 : vector<1x8x1x128xf32>
    %sub3A_244 = arith.subf %add3A_243, %reshape3A_210 : vector<1x8x1x128xf32>
    %mul3A_245 = arith.constant 6.400000e+01 : f32
    %mul3A_246 = vector.broadcast %mul3A_245 : f32 to vector<1x8x1x128xf32>
    %mul3A_247 = arith.mulf %sub3A_244, %mul3A_246 : vector<1x8x1x128xf32>
    %mul3A_248 = arith.constant 6.400000e+01 : f32
    %mul3A_249 = vector.broadcast %mul3A_248 : f32 to vector<125x8x8x128xf32>
    %mul3A_250 = arith.mulf %get3A_194, %mul3A_249 : vector<125x8x8x128xf32>
    %broadcast_in_dim3A_251 = vector.shape_cast %mul3A_247 : vector<1x8x1x128xf32> to vector<1x8x1x128xf32>
    %broadcast_in_dim3A_252 = vector.broadcast %broadcast_in_dim3A_251 : vector<1x8x1x128xf32> to vector<125x8x8x128xf32>
    %select_n3A_253 = arith.select %eq3A_223, %broadcast_in_dim3A_252, %mul3A_250 : vector<125x8x8x128xi1>, vector<125x8x8x128xf32>
    %swap3A_254 = arith.constant 0 : index
    %swap3A_255 = arith.constant 0 : index
    %swap3A_256 = arith.constant 0 : index
    %swap3A_257 = arith.constant 0 : index
    %swap3A_258 = vector.load %arg13[%swap3A_254, %swap3A_255, %swap3A_256, %swap3A_257] : memref<125x8x8x128xf32, #tpu.memory_space<vmem>>, vector<125x8x8x128xf32>
    tpu.vector_store %arg13[%swap3A_254, %swap3A_255, %swap3A_256, %swap3A_257], %select_n3A_253 {strides = array<i32>} : memref<125x8x8x128xf32, #tpu.memory_space<vmem>>, vector<125x8x8x128xf32>,
    %mul3A_259 = arith.constant 125 : i32
    %mul3A_260 = arith.muli %add3A_178, %mul3A_259 : i32
    %dma_start3A_261 = arith.constant 0 : i32
    %dma_start3A_262 = arith.constant 0 : i32
    %dma_start3A_263 = arith.constant 0 : i32
    %dma_start3A_264 = tpu.memref_slice %arg6[%mul3A_260, %dma_start3A_261, %dma_start3A_262, %dma_start3A_263] : memref<12500x8x8x128xf32, #tpu.memory_space<any>> -> memref<125x8x8x128xf32, #tpu.memory_space<any>>
    tpu.enqueue_dma source(%arg13 : memref<125x8x8x128xf32, #tpu.memory_space<vmem>>) target(%dma_start3A_264 : memref<125x8x8x128xf32, #tpu.memory_space<any>>) target_semaphore(%arg21 : memref<!tpu.dma_semaphore, #tpu.memory_space<semaphore_mem>>)
    %lt3A_265 = arith.constant 24 : i32
    %lt3A_266 = arith.cmpi slt, %arg0, %lt3A_265 : i32
    %convert_element_type3A_267 = arith.extui %lt3A_266 : i1 to i32
    %cond3A_268 = arith.constant 0 : i32
    %cond3A_269 = arith.cmpi ne, %convert_element_type3A_267, %cond3A_268 : i32
    scf.if %cond3A_269 {
      %add3A_370 = arith.constant 4 : i32
      %add3A_371 = arith.addi %add3A_178, %add3A_370 : i32
      %mul3A_372 = arith.constant 125 : i32
      %mul3A_373 = arith.muli %add3A_371, %mul3A_372 : i32
      %dma_start3A_374 = arith.constant 0 : i32
      %dma_start3A_375 = arith.constant 0 : i32
      %dma_start3A_376 = arith.constant 0 : i32
      %dma_start3A_377 = tpu.memref_slice %arg5[%mul3A_373, %dma_start3A_374, %dma_start3A_375, %dma_start3A_376] : memref<12500x8x8x128xf32, #tpu.memory_space<any>> -> memref<125x8x8x128xf32, #tpu.memory_space<any>>
      tpu.enqueue_dma source(%dma_start3A_377 : memref<125x8x8x128xf32, #tpu.memory_space<any>>) target(%arg9 : memref<125x8x8x128xf32, #tpu.memory_space<vmem>>) target_semaphore(%arg17 : memref<!tpu.dma_semaphore, #tpu.memory_space<semaphore_mem>>)
    } else {
    }
    %mul3A_270 = arith.constant 4 : i32
    %mul3A_271 = arith.muli %arg0, %mul3A_270 : i32
    %add3A_272 = arith.constant 3 : i32
    %add3A_273 = arith.addi %mul3A_271, %add3A_272 : i32
    %mul3A_274 = arith.constant 125 : i32
    %mul3A_275 = arith.muli %add3A_273, %mul3A_274 : i32
    %dma_wait3A_276 = arith.constant 0 : i32
    %dma_wait3A_277 = arith.constant 0 : i32
    %dma_wait3A_278 = arith.constant 0 : i32
    %dma_wait3A_279 = tpu.memref_slice %arg5[%mul3A_275, %dma_wait3A_276, %dma_wait3A_277, %dma_wait3A_278] : memref<12500x8x8x128xf32, #tpu.memory_space<any>> -> memref<125x8x8x128xf32, #tpu.memory_space<any>>
    tpu.wait_dma2 semaphore(%arg18 : memref<!tpu.dma_semaphore, #tpu.memory_space<semaphore_mem>>) src(%dma_wait3A_279 : memref<125x8x8x128xf32, #tpu.memory_space<any>>) dst(%arg10 : memref<125x8x8x128xf32, #tpu.memory_space<vmem>>)
    %gt3A_280 = arith.constant 0 : i32
    %gt3A_281 = arith.cmpi sgt, %arg0, %gt3A_280 : i32
    %convert_element_type3A_282 = arith.extui %gt3A_281 : i1 to i32
    %cond3A_283 = arith.constant 0 : i32
    %cond3A_284 = arith.cmpi ne, %convert_element_type3A_282, %cond3A_283 : i32
    scf.if %cond3A_284 {
      %sub3A_370 = arith.constant 4 : i32
      %sub3A_371 = arith.subi %add3A_273, %sub3A_370 : i32
      %mul3A_372 = arith.constant 125 : i32
      %mul3A_373 = arith.muli %sub3A_371, %mul3A_372 : i32
      %dma_wait3A_374 = arith.constant 0 : i32
      %dma_wait3A_375 = arith.constant 0 : i32
      %dma_wait3A_376 = arith.constant 0 : i32
      %dma_wait3A_377 = tpu.memref_slice %arg6[%mul3A_373, %dma_wait3A_374, %dma_wait3A_375, %dma_wait3A_376] : memref<12500x8x8x128xf32, #tpu.memory_space<any>> -> memref<125x8x8x128xf32, #tpu.memory_space<any>>
      tpu.wait_dma2 semaphore(%arg22 : memref<!tpu.dma_semaphore, #tpu.memory_space<semaphore_mem>>) src(%arg14 : memref<125x8x8x128xf32, #tpu.memory_space<vmem>>) dst(%dma_wait3A_377 : memref<125x8x8x128xf32, #tpu.memory_space<any>>)
    } else {
    }
    %get3A_285 = arith.constant 0 : index
    %get3A_286 = arith.constant 0 : index
    %get3A_287 = arith.constant 0 : index
    %get3A_288 = arith.constant 0 : index
    %get3A_289 = vector.load %arg10[%get3A_285, %get3A_286, %get3A_287, %get3A_288] : memref<125x8x8x128xf32, #tpu.memory_space<vmem>>, vector<125x8x8x128xf32>
    %get3A_290 = arith.constant 0 : index
    %get3A_291 = arith.constant 0 : index
    %get3A_292 = vector.load %arg1[%get3A_290, %get3A_291] : memref<8x128xi32, #tpu.memory_space<vmem>>, vector<8x128xi32>
    %reshape3A_293 = vector.shape_cast %get3A_292 : vector<8x128xi32> to vector<1x8x1x128xi32>
    %get3A_294 = arith.constant 0 : index
    %get3A_295 = arith.constant 0 : index
    %get3A_296 = vector.load %arg2[%get3A_294, %get3A_295] : memref<8x128xf32, #tpu.memory_space<vmem>>, vector<8x128xf32>
    %reshape3A_297 = vector.shape_cast %get3A_296 : vector<8x128xf32> to vector<1x8x1x128xf32>
    %get3A_298 = arith.constant 0 : index
    %get3A_299 = arith.constant 0 : index
    %get3A_300 = vector.load %arg3[%get3A_298, %get3A_299] : memref<8x128xf32, #tpu.memory_space<vmem>>, vector<8x128xf32>
    %reshape3A_301 = vector.shape_cast %get3A_300 : vector<8x128xf32> to vector<1x8x1x128xf32>
    %get3A_302 = arith.constant 0 : index
    %get3A_303 = arith.constant 0 : index
    %get3A_304 = vector.load %arg4[%get3A_302, %get3A_303] : memref<8x128xf32, #tpu.memory_space<vmem>>, vector<8x128xf32>
    %reshape3A_305 = vector.shape_cast %get3A_304 : vector<8x128xf32> to vector<1x8x1x128xf32>
    %iota3A_306 = tpu.iota {dimensions = array<i32: 0>} : vector<125x1x8x1xi32>
    %iota3A_307 = tpu.iota {dimensions = array<i32: 2>} : vector<125x1x8x1xi32>
    %mul3A_308 = arith.constant 125 : i32
    %mul3A_309 = arith.muli %add3A_273, %mul3A_308 : i32
    %add3A_310 = vector.broadcast %mul3A_309 : i32 to vector<125x1x8x1xi32>
    %add3A_311 = arith.addi %add3A_310, %iota3A_306 : vector<125x1x8x1xi32>
    %mul3A_312 = arith.constant 8 : i32
    %mul3A_313 = vector.broadcast %mul3A_312 : i32 to vector<125x1x8x1xi32>
    %mul3A_314 = arith.muli %add3A_311, %mul3A_313 : vector<125x1x8x1xi32>
    %add3A_315 = arith.addi %mul3A_314, %iota3A_307 : vector<125x1x8x1xi32>
    %eq3A_316 = vector.broadcast %add3A_315 : vector<125x1x8x1xi32> to vector<125x8x8x128xi32>
    %eq3A_317 = vector.broadcast %reshape3A_293 : vector<1x8x1x128xi32> to vector<125x8x8x128xi32>
    %eq3A_318 = arith.cmpi eq, %eq3A_316, %eq3A_317 : vector<125x8x8x128xi32>
    %jit3A_319 = arith.constant 0.000000e+00 : f32
    %broadcast_in_dim3A_320 = vector.broadcast %jit3A_319 : f32 to vector<125x8x8x128xf32>
    %select_n3A_321 = arith.select %eq3A_318, %get3A_289, %broadcast_in_dim3A_320 : vector<125x8x8x128xi1>, vector<125x8x8x128xf32>
    %reduce_sum3A_322 = arith.constant dense<0.000000e+00> : vector<8x8x128xf32>
    %reduce_sum3A_323 = vector.multi_reduction <add>, %select_n3A_321, %reduce_sum3A_322 [0] : vector<125x8x8x128xf32> to vector<8x8x128xf32>
    %broadcast_in_dim3A_324 = vector.shape_cast %reduce_sum3A_323 : vector<8x8x128xf32> to vector<1x8x8x128xf32>
    %reduce_sum3A_325 = arith.constant dense<0.000000e+00> : vector<1x8x128xf32>
    %reduce_sum3A_326 = vector.multi_reduction <add>, %broadcast_in_dim3A_324, %reduce_sum3A_325 [2] : vector<1x8x8x128xf32> to vector<1x8x128xf32>
    %broadcast_in_dim3A_327 = vector.shape_cast %reduce_sum3A_326 : vector<1x8x128xf32> to vector<1x8x1x128xf32>
    %mul3A_328 = arith.mulf %broadcast_in_dim3A_327, %broadcast_in_dim3A_327 : vector<1x8x1x128xf32>
    %sub3A_329 = arith.constant 1.000000e+00 : f32
    %sub3A_330 = vector.broadcast %sub3A_329 : f32 to vector<1x8x1x128xf32>
    %sub3A_331 = arith.subf %sub3A_330, %mul3A_328 : vector<1x8x1x128xf32>
    %max3A_332 = arith.constant 0.000000e+00 : f32
    %max3A_333 = vector.broadcast %max3A_332 : f32 to vector<1x8x1x128xf32>
    %max3A_334 = arith.maximumf %sub3A_331, %max3A_333 : vector<1x8x1x128xf32>
    %sqrt3A_335 = math.sqrt %max3A_334 : vector<1x8x1x128xf32>
    %mul3A_336 = arith.mulf %broadcast_in_dim3A_327, %reshape3A_297 : vector<1x8x1x128xf32>
    %mul3A_337 = arith.mulf %sqrt3A_335, %reshape3A_301 : vector<1x8x1x128xf32>
    %add3A_338 = arith.addf %mul3A_336, %mul3A_337 : vector<1x8x1x128xf32>
    %sub3A_339 = arith.subf %add3A_338, %reshape3A_305 : vector<1x8x1x128xf32>
    %mul3A_340 = arith.constant 6.400000e+01 : f32
    %mul3A_341 = vector.broadcast %mul3A_340 : f32 to vector<1x8x1x128xf32>
    %mul3A_342 = arith.mulf %sub3A_339, %mul3A_341 : vector<1x8x1x128xf32>
    %mul3A_343 = arith.constant 6.400000e+01 : f32
    %mul3A_344 = vector.broadcast %mul3A_343 : f32 to vector<125x8x8x128xf32>
    %mul3A_345 = arith.mulf %get3A_289, %mul3A_344 : vector<125x8x8x128xf32>
    %broadcast_in_dim3A_346 = vector.shape_cast %mul3A_342 : vector<1x8x1x128xf32> to vector<1x8x1x128xf32>
    %broadcast_in_dim3A_347 = vector.broadcast %broadcast_in_dim3A_346 : vector<1x8x1x128xf32> to vector<125x8x8x128xf32>
    %select_n3A_348 = arith.select %eq3A_318, %broadcast_in_dim3A_347, %mul3A_345 : vector<125x8x8x128xi1>, vector<125x8x8x128xf32>
    %swap3A_349 = arith.constant 0 : index
    %swap3A_350 = arith.constant 0 : index
    %swap3A_351 = arith.constant 0 : index
    %swap3A_352 = arith.constant 0 : index
    %swap3A_353 = vector.load %arg14[%swap3A_349, %swap3A_350, %swap3A_351, %swap3A_352] : memref<125x8x8x128xf32, #tpu.memory_space<vmem>>, vector<125x8x8x128xf32>
    tpu.vector_store %arg14[%swap3A_349, %swap3A_350, %swap3A_351, %swap3A_352], %select_n3A_348 {strides = array<i32>} : memref<125x8x8x128xf32, #tpu.memory_space<vmem>>, vector<125x8x8x128xf32>,
    %mul3A_354 = arith.constant 125 : i32
    %mul3A_355 = arith.muli %add3A_273, %mul3A_354 : i32
    %dma_start3A_356 = arith.constant 0 : i32
    %dma_start3A_357 = arith.constant 0 : i32
    %dma_start3A_358 = arith.constant 0 : i32
    %dma_start3A_359 = tpu.memref_slice %arg6[%mul3A_355, %dma_start3A_356, %dma_start3A_357, %dma_start3A_358] : memref<12500x8x8x128xf32, #tpu.memory_space<any>> -> memref<125x8x8x128xf32, #tpu.memory_space<any>>
    tpu.enqueue_dma source(%arg14 : memref<125x8x8x128xf32, #tpu.memory_space<vmem>>) target(%dma_start3A_359 : memref<125x8x8x128xf32, #tpu.memory_space<any>>) target_semaphore(%arg22 : memref<!tpu.dma_semaphore, #tpu.memory_space<semaphore_mem>>)
    %lt3A_360 = arith.constant 24 : i32
    %lt3A_361 = arith.cmpi slt, %arg0, %lt3A_360 : i32
    %convert_element_type3A_362 = arith.extui %lt3A_361 : i1 to i32
    %cond3A_363 = arith.constant 0 : i32
    %cond3A_364 = arith.cmpi ne, %convert_element_type3A_362, %cond3A_363 : i32
    scf.if %cond3A_364 {
      %add3A_370 = arith.constant 4 : i32
      %add3A_371 = arith.addi %add3A_273, %add3A_370 : i32
      %mul3A_372 = arith.constant 125 : i32
      %mul3A_373 = arith.muli %add3A_371, %mul3A_372 : i32
      %dma_start3A_374 = arith.constant 0 : i32
      %dma_start3A_375 = arith.constant 0 : i32
      %dma_start3A_376 = arith.constant 0 : i32
      %dma_start3A_377 = tpu.memref_slice %arg5[%mul3A_373, %dma_start3A_374, %dma_start3A_375, %dma_start3A_376] : memref<12500x8x8x128xf32, #tpu.memory_space<any>> -> memref<125x8x8x128xf32, #tpu.memory_space<any>>
      tpu.enqueue_dma source(%dma_start3A_377 : memref<125x8x8x128xf32, #tpu.memory_space<any>>) target(%arg10 : memref<125x8x8x128xf32, #tpu.memory_space<vmem>>) target_semaphore(%arg18 : memref<!tpu.dma_semaphore, #tpu.memory_space<semaphore_mem>>)
    } else {
    }
    %eq3A_365 = arith.constant 24 : i32
    %eq3A_366 = arith.cmpi eq, %arg0, %eq3A_365 : i32
    %convert_element_type3A_367 = arith.extui %eq3A_366 : i1 to i32
    %cond3A_368 = arith.constant 0 : i32
    %cond3A_369 = arith.cmpi ne, %convert_element_type3A_367, %cond3A_368 : i32
    scf.if %cond3A_369 {
      %mul3A_370 = arith.constant 4 : i32
      %mul3A_371 = arith.muli %arg0, %mul3A_370 : i32
      %add3A_372 = arith.constant 0 : i32
      %add3A_373 = arith.addi %mul3A_371, %add3A_372 : i32
      %mul3A_374 = arith.constant 125 : i32
      %mul3A_375 = arith.muli %add3A_373, %mul3A_374 : i32
      %dma_wait3A_376 = arith.constant 0 : i32
      %dma_wait3A_377 = arith.constant 0 : i32
      %dma_wait3A_378 = arith.constant 0 : i32
      %dma_wait3A_379 = tpu.memref_slice %arg6[%mul3A_375, %dma_wait3A_376, %dma_wait3A_377, %dma_wait3A_378] : memref<12500x8x8x128xf32, #tpu.memory_space<any>> -> memref<125x8x8x128xf32, #tpu.memory_space<any>>
      tpu.wait_dma2 semaphore(%arg19 : memref<!tpu.dma_semaphore, #tpu.memory_space<semaphore_mem>>) src(%arg11 : memref<125x8x8x128xf32, #tpu.memory_space<vmem>>) dst(%dma_wait3A_379 : memref<125x8x8x128xf32, #tpu.memory_space<any>>)
      %mul3A_380 = arith.constant 4 : i32
      %mul3A_381 = arith.muli %arg0, %mul3A_380 : i32
      %add3A_382 = arith.constant 1 : i32
      %add3A_383 = arith.addi %mul3A_381, %add3A_382 : i32
      %mul3A_384 = arith.constant 125 : i32
      %mul3A_385 = arith.muli %add3A_383, %mul3A_384 : i32
      %dma_wait3A_386 = arith.constant 0 : i32
      %dma_wait3A_387 = arith.constant 0 : i32
      %dma_wait3A_388 = arith.constant 0 : i32
      %dma_wait3A_389 = tpu.memref_slice %arg6[%mul3A_385, %dma_wait3A_386, %dma_wait3A_387, %dma_wait3A_388] : memref<12500x8x8x128xf32, #tpu.memory_space<any>> -> memref<125x8x8x128xf32, #tpu.memory_space<any>>
      tpu.wait_dma2 semaphore(%arg20 : memref<!tpu.dma_semaphore, #tpu.memory_space<semaphore_mem>>) src(%arg12 : memref<125x8x8x128xf32, #tpu.memory_space<vmem>>) dst(%dma_wait3A_389 : memref<125x8x8x128xf32, #tpu.memory_space<any>>)
      %mul3A_390 = arith.constant 4 : i32
      %mul3A_391 = arith.muli %arg0, %mul3A_390 : i32
      %add3A_392 = arith.constant 2 : i32
      %add3A_393 = arith.addi %mul3A_391, %add3A_392 : i32
      %mul3A_394 = arith.constant 125 : i32
      %mul3A_395 = arith.muli %add3A_393, %mul3A_394 : i32
      %dma_wait3A_396 = arith.constant 0 : i32
      %dma_wait3A_397 = arith.constant 0 : i32
      %dma_wait3A_398 = arith.constant 0 : i32
      %dma_wait3A_399 = tpu.memref_slice %arg6[%mul3A_395, %dma_wait3A_396, %dma_wait3A_397, %dma_wait3A_398] : memref<12500x8x8x128xf32, #tpu.memory_space<any>> -> memref<125x8x8x128xf32, #tpu.memory_space<any>>
      tpu.wait_dma2 semaphore(%arg21 : memref<!tpu.dma_semaphore, #tpu.memory_space<semaphore_mem>>) src(%arg13 : memref<125x8x8x128xf32, #tpu.memory_space<vmem>>) dst(%dma_wait3A_399 : memref<125x8x8x128xf32, #tpu.memory_space<any>>)
      %mul3A_400 = arith.constant 4 : i32
      %mul3A_401 = arith.muli %arg0, %mul3A_400 : i32
      %add3A_402 = arith.constant 3 : i32
      %add3A_403 = arith.addi %mul3A_401, %add3A_402 : i32
      %mul3A_404 = arith.constant 125 : i32
      %mul3A_405 = arith.muli %add3A_403, %mul3A_404 : i32
      %dma_wait3A_406 = arith.constant 0 : i32
      %dma_wait3A_407 = arith.constant 0 : i32
      %dma_wait3A_408 = arith.constant 0 : i32
      %dma_wait3A_409 = tpu.memref_slice %arg6[%mul3A_405, %dma_wait3A_406, %dma_wait3A_407, %dma_wait3A_408] : memref<12500x8x8x128xf32, #tpu.memory_space<any>> -> memref<125x8x8x128xf32, #tpu.memory_space<any>>
      tpu.wait_dma2 semaphore(%arg22 : memref<!tpu.dma_semaphore, #tpu.memory_space<semaphore_mem>>) src(%arg14 : memref<125x8x8x128xf32, #tpu.memory_space<vmem>>) dst(%dma_wait3A_409 : memref<125x8x8x128xf32, #tpu.memory_space<any>>)
    } else {
    }
    return
  }
  func.func @transform_0(%arg0: i32) -> (i32, i32) {
    %c0_i32 = arith.constant 0 : i32
    %c0_i32_0 = arith.constant 0 : i32
    %c0_i32_1 = arith.constant 0 : i32
    return %c0_i32, %c0_i32_0 : i32, i32
  }
  func.func @transform_1(%arg0: i32) -> (i32, i32) {
    %c0_i32 = arith.constant 0 : i32
    %c0_i32_0 = arith.constant 0 : i32
    %c0_i32_1 = arith.constant 0 : i32
    return %c0_i32, %c0_i32_0 : i32, i32
  }
  func.func @transform_2(%arg0: i32) -> (i32, i32) {
    %c0_i32 = arith.constant 0 : i32
    %c0_i32_0 = arith.constant 0 : i32
    %c0_i32_1 = arith.constant 0 : i32
    return %c0_i32, %c0_i32_0 : i32, i32
  }
  func.func @transform_3(%arg0: i32) -> (i32, i32) {
    %c0_i32 = arith.constant 0 : i32
    %c0_i32_0 = arith.constant 0 : i32
    %c0_i32_1 = arith.constant 0 : i32
    return %c0_i32, %c0_i32_0 : i32, i32
  }
}

</mosaic_0001>

<sc_bundles>
// kernel: kernel.4.cloned.1.call-start
scs
__scs_entry_jumppad:
0x0: {  	(pc) =	sbr.rel $0x88, $3  }
0x1: {  	(tag) =	ssettag $0x0;
	lr =	simm.s32 $0x1  }
0x2: {  	[smem:$0x3F9C] =	sst lr;
	_ =	strace $0xD0000000  }
0x3: {  	_ = 	snop  }
0x4: {  	_ = 	snop  }
0x5: {  	_ = 	snop  }
0x6: {  	_ = 	snop  }
0x7: {  	_ = 	snop  }
__scs_overlays_trampoline_lowered:
0x8: {  	[smem:$0x3FAB] =	sst s0  }
0x9: {  	[smem:$0x3FAC] =	sst s1  }
0xa: {  	[smem:$0x3FAD] =	sst s2  }
0xb: {  	[smem:$0x3FAE] =	sst s3  }
0xc: {  	[smem:$0x3FAF] =	sst s4  }
0xd: {  	[smem:$0x3FB0] =	sst s5  }
0xe: {  	[smem:$0x3FB1] =	sst s6  }
0xf: {  	[smem:$0x3FB2] =	sst s7  }
0x10: {  	[smem:$0x3FB3] =	sst s8  }
0x11: {  	[smem:$0x3FB4] =	sst s9;
	s0 =	simm.s32 @!p0 $0x0  }
0x12: {  	s1 =	sld [smem:$0x3F9A];
	s0 =	simm.s32 @p0 $0x1  }
0x13: {  	[smem:$0x3FB5] =	sst s0;
	s0 =	simm.s32 @!p1 $0x0  }
0x14: {  	s2 =	sld [smem:$0x3F99];
	s0 =	simm.s32 @p1 $0x1  }
0x15: {  	[smem:$0x3FB6] =	sst s0;
	s0 =	simm.s32 @!p2 $0x0  }
0x16: {  	s3 =	sld [smem:$0x3FDB];
	s0 =	simm.s32 @p2 $0x1  }
0x17: {  	s4 =	simm.s32 $0x1BF5;
	[smem:$0x3FB8] =	sst s0  }
0x18: {  	s0 =	sld [smem:$0x3F9B];
	_ =	swait.ge [sflag:s4], $0x0  }
0x19: {  	s7 =	sld [smem:$0x3F9C]  }
0x1a: {  	s8 =	sadd.s32 $0xFFFFE003, lr  }
0x1b: {  	s9 =	sadd.s32 $0xFFFFFEF7, lr;
	s5 =	simm.s32 $0xFFFFFFFF;
	p2 =	slt.u32 s8, $0xFFFFF086  }
0x1c: {  	p1 =	slt.u32 s9, $0xF7A;
	s5 =	simm.s32 @!p2 $0x0  }
0x1d: {  	s5 =	simm.s32 @p1 $0x1;
	p0 =	seq.s32 s7, s2  }
0x1e: {  	s7 =	smul.u32 @!p0 $0xF7A, s2;
	p2 =	seq.s32 @!p0 s5, $0x0  }
0x1f: {  	s9 =	smul.u32 $0xF7A, s1;
	s8 =	simm.s32 @!p0 $0x1BF5;
	p2 =	por !p2, p0  }
0x20: {  	[sflag:s8] =	ssyncset.s32 @!p0 $0xFFFFF086;
	s6 =	sadd.s32 @!p0 s3, s7;
	s7 =	simm.s32 @!p0 $0x108  }
0x21: {  	s3 =	sadd.s32 s3, s9;
	s6 =	sadd.s32 @!p0 $0x88, s6;
	s7 =	simm.s32 @p2 $0x1082  }
0x22: {  	[simem:s7], [sflag:s8] =	dma.local @!p0 [hbm:s6], $0xF7A  }
0x23: {  	s9 =	sor.u32 $0xD0000000, s2;
	s6 =	simm.s32 $0x108;
	_ =	swait.ge @!p0 [sflag:s8], $0x0  }
0x24: {  	s3 =	sadd.s32 $0x88, s3;
	s6 =	simm.s32 @!p1 $0x1082;
	[sflag:s4] =	ssyncset.s32 $0xFFFFF086  }
0x25: {  	[simem:s6], [sflag:s4] =	dma.local [hbm:s3], $0xF7A  }
0x26: {  	[smem:$0x3F9C] =	sst s1;
	(tag) =	ssettag s2;
	_ =	strace s9  }
0x27: {  	s1 =	sld [smem:$0x3FAC]  }
0x28: {  	s2 =	sld [smem:$0x3FAD]  }
0x29: {  	s4 =	sld [smem:$0x3FAF]  }
0x2a: {  	p0 =	seq.s32 s5, $0x0;
	s5 =	sld [smem:$0x3FB0]  }
0x2b: {  	s6 =	sld [smem:$0x3FB1]  }
0x2c: {  	s7 =	sld [smem:$0x3FB2]  }
0x2d: {  	s3 =	simm.s32 $0x108;
	s8 =	sld [smem:$0x3FB3]  }
0x2e: {  	s3 =	simm.s32 @!p0 $0x1082;
	s9 =	sld [smem:$0x3FB4]  }
0x2f: {  	lr =	sadd.s32 s0, s3;
	s0 =	sld [smem:$0x3FAB]  }
0x30: {  	s3 =	sld [smem:$0x3FAE]  }
0x31: {  	[smem:$0x3FB7] =	sst s10  }
0x32: {  	s10 =	sld [smem:$0x3FB5];
	_ =	sdelay $0x3  }
0x33: {  	p0 =	seq.s32 s10, $0x1;
	s10 =	sld [smem:$0x3FB7];
	_ =	sdelay $0x3  }
0x34: {  	[smem:$0x3FB7] =	sst s10  }
0x35: {  	s10 =	sld [smem:$0x3FB6];
	_ =	sdelay $0x3  }
0x36: {  	p1 =	seq.s32 s10, $0x1;
	s10 =	sld [smem:$0x3FB7];
	_ =	sdelay $0x3  }
0x37: {  	[smem:$0x3FB7] =	sst s10  }
0x38: {  	s10 =	sld [smem:$0x3FB8]  }
0x39: {  	_ = 	snop;
	(pc) =	sbr.ind lr, $3  }
0x3a: {  	_ = 	snop  }
0x3b: {  	_ = 	snop  }
0x3c: {  	p2 =	seq.s32 s10, $0x1;
	s10 =	sld [smem:$0x3FB7]  }
0x3d: {  	_ =	shalt  }
0x3e: {  	_ =	shalt  }
0x3f: {  	_ =	shalt  }
0x40: {  	_ =	shalt  }
0x41: {  	_ =	shalt  }
0x42: {  	_ =	shalt  }
0x43: {  	_ =	shalt  }
0x44: {  	_ =	shalt  }
0x45: {  	_ =	shalt  }
0x46: {  	_ =	shalt  }
0x47: {  	_ =	shalt  }
0x48: {  	_ =	shalt  }
0x49: {  	_ =	shalt  }
0x4a: {  	_ =	shalt  }
0x4b: {  	_ =	shalt  }
0x4c: {  	_ =	shalt  }
0x4d: {  	_ =	shalt  }
0x4e: {  	_ =	shalt  }
0x4f: {  	_ =	shalt  }
0x50: {  	_ =	shalt  }
0x51: {  	_ =	shalt  }
0x52: {  	_ =	shalt  }
0x53: {  	_ =	shalt  }
0x54: {  	_ =	shalt  }
0x55: {  	_ =	shalt  }
0x56: {  	_ =	shalt  }
0x57: {  	_ =	shalt  }
0x58: {  	_ =	shalt  }
0x59: {  	_ =	shalt  }
0x5a: {  	_ =	shalt  }
0x5b: {  	_ =	shalt  }
0x5c: {  	_ =	shalt  }
0x5d: {  	_ =	shalt  }
0x5e: {  	_ =	shalt  }
0x5f: {  	_ =	shalt  }
0x60: {  	_ =	shalt  }
0x61: {  	_ =	shalt  }
0x62: {  	_ =	shalt  }
0x63: {  	_ =	shalt  }
0x64: {  	_ =	shalt  }
0x65: {  	_ =	shalt  }
0x66: {  	_ =	shalt  }
0x67: {  	_ =	shalt  }
0x68: {  	_ =	shalt  }
0x69: {  	_ =	shalt  }
0x6a: {  	_ =	shalt  }
0x6b: {  	_ =	shalt  }
0x6c: {  	_ =	shalt  }
0x6d: {  	_ =	shalt  }
0x6e: {  	_ =	shalt  }
0x6f: {  	_ =	shalt  }
0x70: {  	_ =	shalt  }
0x71: {  	_ =	shalt  }
0x72: {  	_ =	shalt  }
0x73: {  	_ =	shalt  }
0x74: {  	_ =	shalt  }
0x75: {  	_ =	shalt  }
0x76: {  	_ =	shalt  }
0x77: {  	_ =	shalt  }
0x78: {  	_ =	shalt  }
0x79: {  	_ =	shalt  }
0x7a: {  	_ =	shalt  }
0x7b: {  	_ =	shalt  }
0x7c: {  	_ =	shalt  }
0x7d: {  	_ =	shalt  }
0x7e: {  	_ =	shalt  }
0x7f: {  	_ =	shalt  }
0x80: {  	_ =	shalt  }
0x81: {  	_ =	shalt  }
0x82: {  	_ =	shalt  }
0x83: {  	_ =	shalt  }
0x84: {  	_ =	shalt  }
0x85: {  	_ =	shalt  }
0x86: {  	_ =	shalt  }
0x87: {  	_ =	shalt  }
.Lfunc_end0:
.L_simem_size_0:
called_computation_lowered:
.L_overlay_start_0:
0x88: {  	s2 =	sld [smem:$0x3FD9]  }
0x89: {  	s3 =	sld [smem:$0x3FFE];
	_ =	sdelay $0x1  }
0x8a: {  	s1 =	srdreg.scid  }
0x8b: {  	s0 =	sand.u32 $0x1, s1  }
0x8c: {  	s14 =	sshll.u32 s0, $0xA;
	s2 =	sadd.s32 s3, s2  }
0x8d: {  	s2 =	sadd.s32 s2, s14  }
0x8e: {  	[smem:$0x3FC3] =	sst s2  }
0x8f: {  	_ = 	snop  }
0x90: {  	s2 =	sld [smem:$0x3FD0];
	_ =	sdelay $0x2  }
0x91: {  	s4 =	simm.s32 $0xA;
	s5 =	simm.s32 $0x10;
	s15 =	sld [smem:$0x3FC7]  }
0x92: {  	[smem:s5], [sflag:s4] =	dma.local [hbm:s2], $0x1  }
0x93: {  	_ =	swait.eq [sflag:s4], $0x1  }
0x94: {  	s16 =	sld [smem:$0x10];
	[sflag:s4] =	ssyncset.done $0x0  }
0x95: {  	s17 =	sld [smem:$0x11];
	[sflag:s4] =	ssyncadd.s32 $0xFFFFFFFF  }
0x96: {  	s18 =	sld [smem:$0x12];
	(tm) =	ssettm $0x1  }
0x97: {  	s6 =	sld [smem:$0x3FFB];
	_ =	sdelay $0x3  }
0x98: {  	_ =	strace s6  }
0x99: {  	s6 =	sld [smem:$0x3FFC];
	_ =	sdelay $0x3  }
0x9a: {  	_ =	strace s6  }
0x9b: {  	s6 =	sld [smem:$0x3FFD];
	_ =	sdelay $0x3  }
0x9c: {  	_ =	strace s6  }
0x9d: {  	_ =	strace $0x8FFFFFFF  }
0x9e: {  	s19 =	sld [smem:$0x3FDB];
	_ =	sdelay $0x1  }
0x9f: {  	s7 =	simm.s32 $_scs_section_size  }
0xa0: {  	s8 =	simm.s32 $_size__tile_overlayer_lowered;
	s9 =	simm.s32 $_tile_overlayer_lowered  }
0xa1: {  	s22 =	simm.s32 $0x1BFF;
	s21 =	sshll.u32 s9, $0x1;
	s6 =	sadd.s32 s7, s19  }
0xa2: {  	s10 =	simm.s32 $0x0;
	s20 =	sshll.u32 s8, $0x1;
	s8 =	sadd.s32 s21, s6  }
0xa3: {  	[timem:s10], [sflag:s22] =	dma.local [hbm:s8], s20  }
0xa4: {  	_ =	swait.ge [sflag:s22], s20  }
0xa5: {  	s7 =	ssub.s32 $0x0, s20;
	[sflag:s22] =	ssyncset.done $0x0  }
0xa6: {  	[sflag:s22] =	ssyncadd.s32 s7;
	_ =	sdelay $0x1  }
0xa7: {  	s23 =	simm.s32 $0x1B8B  }
0xa8: {  	_ =	swait.ge [sflag:s23], $0x1  }
0xa9: {  	[sflag:s23] =	ssyncset.done $0x0  }
0xaa: {  	s25 =	simm.s32 $0x1B8E;
	s24 =	sld [smem:$0x3FFE];
	[sflag:s23] =	ssyncadd.s32 $0xFFFFFFFF  }
0xab: {  	s26 =	simm.s32 $execute0_lowered;
	[smem:$0x3FD2] =	sst s25  }
0xac: {  	s8 =	sshll.u32 s26, $0x1;
	_ =	strace $0x80000046;
	[dreg:$0x1] =	wrdreg $0xFFFFFFFF  }
0xad: {  	s28 =	simm.s32 $_size_execute0_lowered;
	s6 =	sadd.s32 s6, s8;
	[dreg:$0x0] =	wrdreg $0x0  }
0xae: {  	s8 =	sshll.u32 s28, $0x1;
	[dreg:$0x2] =	wrdreg s6  }
0xaf: {  	[dreg:$0x3] =	wrdreg s8  }
0xb0: {  	[dreg:$0x4] =	wrdreg $0xC0  }
0xb1: {  	_ =	task [dreg:s10], $0x5FFFF  }
0xb2: {  	[dreg:$0x1] =	wrdreg $0xFFFFFFFF  }
0xb3: {  	[dreg:$0x0] =	wrdreg $0x60  }
0xb4: {  	[dreg:$0x2] =	wrdreg s15  }
0xb5: {  	[dreg:$0x3] =	wrdreg s16  }
0xb6: {  	[dreg:$0x4] =	wrdreg s24  }
0xb7: {  	[dreg:$0x5] =	wrdreg s17  }
0xb8: {  	[dreg:$0x6] =	wrdreg s18  }
0xb9: {  	[dreg:$0x7] =	wrdreg $0x9  }
0xba: {  	_ =	task.clear_ibuf [dreg:s10], $0x8FFFF;
	_ =	strace $0x90000046  }
0xbb: {  	s29 =	simm.s32 $0x9;
	_ =	strace $0x80000048  }
0xbc: {  	_ =	swait.ge [sflag:s29], $0x1  }
0xbd: {  	[sflag:s29] =	ssyncadd.s32 $0xFFFFFFFF  }
0xbe: {  	_ =	strace $0x90000048  }
0xbf: {  	_ =	sfence  }
0xc0: {  	s30 =	sld [smem:$0x0];
	_ =	sdelay $0x2  }
0xc1: {  	s31 =	sshll.u32 s1, $0xD;
	s1 =	sshrl.u32 s1, $0x2  }
0xc2: {  	s3 =	sand.u32 $0x4000, s31;
	s1 =	sadd.s32 s1, s30  }
0xc3: {  	s0 =	sor.u32 s3, s0;
	s1 =	sshll.u32 s1, $0x11  }
0xc4: {  	s0 =	sor.u32 s1, s0  }
0xc5: {  	s0 =	sadd.s32 $0x8F2B, s0  }
0xc6: {  	[sflag:s0] =	ssyncadd.remote.s32 $0x1  }
0xc7: {  	_ =	sfence.sel $0xFFFF  }
0xc8: {  	[dreg:$0x0] =	wrdreg $0xFFFFFFFF;
	(pc) =	sbr.abs _section_cstart, $3  }
0xc9: {  	[dreg:$0x1] =	wrdreg $0xFFFFFFFF  }
0xca: {  	_ =	task.clear_ibuf [dreg:s10], $0x2FFFF;
	_ =	strace $0x9FFFFFFF  }
0xcb: {  	(tm) =	ssettm $0x7FFFFFFF  }
tec
execute0_lowered:
.L_overlay_start_1:
0x0: {  	(tag) =	ssettag $0x1  }
0x1: {  	s1 =	rddreg [dreg:$0x0]  }
0x2: {  	s2 =	rddreg [dreg:$0x1]  }
0x3: {  	s8 =	rddreg [dreg:$0x2]  }
0x4: {  	s3 =	rddreg [dreg:$0x3]  }
0x5: {  	s4 =	rddreg [dreg:$0x4];
	s5 =	simm.s32 $0x0  }
0x6: {  	v1 =	vimm.s32 $0x67452301;
	v2 =	vimm.s32 $0xDCFE98BA;
	[smem:$0x7FF] =	sst s5  }
0x7: {  	s0 =	rddreg [dreg:$0x5];
	v0 =	vimm.f32 $1.024000000e+03;
	v3 =	vimm.f32 $1.023000000e+03;
	v4 =	vimm.s32 $0xBA98FEDC;
	_ =	strace $0x80000047  }
0x8: {  	v5 =	vimm.s32 $0x32107654;
	v6 =	vimm.s32 $0xFEDCBA98;
	(erf) = vrcp.f32 v0  }
0x9: {  	v7 =	vimm.s32 $0x76543210;
	v1 =	vunpack.c.l.s4.s8 v1;
	(erf) = vrcp.f32 v3  }
0xa: {  	s7 =	srdreg.scid;
	v2 =	vunpack.c.l.s4.s8 v2;
	v4 =	vunpack.c.l.s4.s8 v4;
	v0 =	vimm.s32 $0xEFCDAB89  }
0xb: {  	s6 =	stileid.u32;
	s13 =	simm.s32 $0x1;
	s14 =	simm.s32 $0x400;
	v5 =	vunpack.c.l.s4.s8 v5;
	v0 =	vunpack.c.l.s4.s8 v0;
	v3 =	vimm.s32 $0x54761032  }
0xc: {  	s15 =	simm.s32 $0x410;
	s16 =	simm.s32 $0x440;
	s18 =	simm.s32 $0x470;
	v6 =	vunpack.c.l.s4.s8 v6;
	v7 =	vunpack.c.l.s4.s8 v7;
	v3 =	vunpack.c.l.s4.s8 v3  }
0xd: {  	s19 =	simm.s32 $0x490;
	s7 =	sand.u32 $0x1, s7;
	s9 =	sshll.u32 s6, $0x1;
	v4 =	vunpack.c.0.s8.s32 v4;
	v5 =	vunpack.c.0.s8.s32 v5;
	v0 =	vunpack.c.0.s8.s32 v0  }
0xe: {  	s20 =	simm.s32 $0x0;
	s17 =	sor.u32 s7, s9;
	s10 =	ssub.s32 $0x2, s7;
	v1 =	vunpack.c.0.s8.s32 v1;
	v2 =	vunpack.c.0.s8.s32 v2;
	v3 =	vunpack.c.0.s8.s32 v3  }
0xf: {  	s7 =	sadd.s32 $0x800, s8;
	s9 =	sshll.u32 s17, $0x2;
	s31 =	sshrl.u32 s10, $0x1;
	v6 =	vunpack.c.0.s8.s32 v6;
	v4 =	vcombine.low v5, v4  }
0x10: {  	p0 =	sne.s32 s17, $0x0;
	s11 =	sadd.s32 s9, s8;
	s12 =	ssub.s32 s10, s31;
	v5 =	vunpack.c.0.s8.s32 v7;
	v1 =	vcombine.low v1, v0;
	v3 =	vcombine.low v3, v2  }
0x11: {  	s8 =	sshll.u32 s17, $0x5;
	s17 =	simm.s32 $0x450;
	s9 =	sadd.s32 $0xA00, s11;
	v6 =	vand.u32 $0xF, v6;
	v4 =	vand.u32 $0xF, v4;
	v0 =	vpop (erf)  }
0x12: {  	s10 =	sadd.s32 $0xC00, s11;
	s11 =	sadd.s32 $0xE00, s11;
	s12 =	smax.u32 s12, $0x1;
	v5 =	vcombine.low v6, v5;
	v1 =	vand.u32 $0xF, v1;
	v3 =	vand.u32 $0xF, v3;
	v2 =	vpop (erf)  }
.LBB2_1:
0x13: {  	[tilespmem:s5], [sflag:$0x1] =	stream.linear.gather [hbm4b:s1+s5], $0x400, $0x38;
	[tilespmem:$0x4B0] =	vst v63  }
0x14: {  	_ =	swait.ge [sflag:s13], $0x400  }
0x15: {  	[sflag:s13] =	ssyncset.done $0x0  }
0x16: {  	[sflag:s13] =	ssyncadd.s32 $0xFFFFFC00  }
0x17: {  	[tilespmem:s14], [sflag:$0x1] =	stream.linear.gather [hbm4b:s2+s5], $0x10, $0x38;
	[tilespmem:$0x4B0] =	vst v63  }
0x18: {  	_ =	swait.ge [sflag:s13], $0x10  }
0x19: {  	[sflag:s13] =	ssyncset.done $0x0  }
0x1a: {  	[sflag:s13] =	ssyncadd.s32 $0xFFFFFFF0  }
0x1b: {  	[tilespmem:s15], [sflag:$0x1] =	stream.linear.gather [hbm4b:s7+s5], $0x10, $0x38;
	[tilespmem:$0x4B0] =	vst v63  }
0x1c: {  	_ =	swait.ge [sflag:s13], $0x10  }
0x1d: {  	[sflag:s13] =	ssyncset.done $0x0  }
0x1e: {  	s22 =	simm.s32 $0x0;
	[sflag:s13] =	ssyncadd.s32 $0xFFFFFFF0  }
0x1f: {  	v7 =	vld [tilespmem:s22+$0x0]  }
0x20: {  	v6 =	vimm.f32 $0.0e+00;
	s21 =	simm.s32 $0x40  }
.LBB2_2:
0x21: {  	p1 =	sne.s32 s21, $0xFC0  }
.Ltmp0:
0x22: {  	_ = 	snop;
	(pc) =	sbr.rel @p1 .LBB2_2-.Ltmp0, $4  }
0x23: {  	_ = 	snop  }
0x24: {  	s22 =	sshra.s32 s21, $0x2;
	s21 =	sadd.s32 $0x40, s21;
	v8 =	vmax.f32 v7, $1.000000050e-03  }
0x25: {  	v7 =	vld [tilespmem:s22+$0x0];
	v8 =	vmin.f32 v8, $1.000000000e+02  }
0x26: {  	v6 =	vadd.f32 v8, v6  }
0x27: {  	_ =	sdelay $0x2  }
0x28: {  	v7 =	vmax.f32 v7, $1.000000050e-03  }
0x29: {  	v7 =	vmin.f32 v7, $1.000000000e+02  }
0x2a: {  	v6 =	vadd.f32 v7, v6;
	_ =	sdelay $0x1  }
0x2b: {  	[tilespmem:$0x440] =	vst v6  }
0x2c: {  	v7 =	vld.idx.msk [tilespmem:v1+s16+$0x0], $0xffff;
	_ =	sdelay $0x4  }
0x2d: {  	v6 =	vadd.f32 v7, v6;
	_ =	sdelay $0x1  }
0x2e: {  	[tilespmem:$0x440] =	vst v6  }
0x2f: {  	v7 =	vld.idx.msk [tilespmem:v3+s16+$0x0], $0xffff;
	_ =	sdelay $0x4  }
0x30: {  	v6 =	vadd.f32 v7, v6;
	_ =	sdelay $0x1  }
0x31: {  	[tilespmem:$0x440] =	vst v6  }
0x32: {  	v7 =	vld.idx.msk [tilespmem:v4+s16+$0x0], $0xffff;
	_ =	sdelay $0x4  }
0x33: {  	v6 =	vadd.f32 v7, v6;
	_ =	sdelay $0x1  }
0x34: {  	[tilespmem:$0x440] =	vst v6  }
0x35: {  	v7 =	vld.idx.msk [tilespmem:v5+s16+$0x0], $0xffff  }
0x36: {  	s21 =	simm.s32 $0x0  }
0x37: {  	v8 =	vld [tilespmem:s21+$0x0];
	_ =	sdelay $0x2  }
0x38: {  	v6 =	vadd.f32 v7, v6;
	_ =	sdelay $0x1  }
0x39: {  	s22 =	simm.s32 $0x10;
	v7 =	vmax.f32 v8, $1.000000050e-03;
	v6 =	vmul.f32 v6, v0  }
0x3a: {  	v8 =	vld [tilespmem:s22+$0x0];
	v7 =	vmin.f32 v7, $1.000000000e+02  }
0x3b: {  	v9 =	vsub.f32 v7, v6;
	_ =	sdelay $0x1  }
0x3c: {  	s21 =	simm.s32 $0x80;
	v7 =	vimm.f32 $0.0e+00;
	v9 =	vmul.f32 v9, v9  }
.LBB2_4:
0x3d: {  	p1 =	sne.s32 s21, $0xFC0  }
.Ltmp1:
0x3e: {  	s22 =	sshra.s32 s21, $0x2;
	s21 =	sadd.s32 $0x40, s21;
	v10 =	vmax.f32 v8, $1.000000050e-03;
	v7 =	vadd.f32 v9, v7;
	(pc) =	sbr.rel @p1 .LBB2_4-.Ltmp1, $3  }
0x3f: {  	v8 =	vld [tilespmem:s22+$0x0];
	v9 =	vmin.f32 v10, $1.000000000e+02  }
0x40: {  	v9 =	vsub.f32 v9, v6;
	_ =	sdelay $0x1  }
0x41: {  	v9 =	vmul.f32 v9, v9  }
0x42: {  	_ = 	snop  }
0x43: {  	v8 =	vmax.f32 v8, $1.000000050e-03  }
0x44: {  	v8 =	vmin.f32 v8, $1.000000000e+02  }
0x45: {  	v8 =	vsub.f32 v8, v6;
	_ =	sdelay $0x1  }
0x46: {  	v7 =	vadd.f32 v9, v7;
	v8 =	vmul.f32 v8, v8;
	_ =	sdelay $0x1  }
0x47: {  	v7 =	vadd.f32 v8, v7;
	_ =	sdelay $0x1  }
0x48: {  	[tilespmem:$0x440] =	vst v7  }
0x49: {  	v47 =	vld.idx.msk [tilespmem:v1+s16+$0x0], $0xffff;
	_ =	sdelay $0x4  }
0x4a: {  	v7 =	vadd.f32 v47, v7;
	_ =	sdelay $0x1  }
0x4b: {  	[tilespmem:$0x440] =	vst v7  }
0x4c: {  	v48 =	vld.idx.msk [tilespmem:v3+s16+$0x0], $0xffff;
	_ =	sdelay $0x4  }
0x4d: {  	v7 =	vadd.f32 v48, v7;
	_ =	sdelay $0x1  }
0x4e: {  	[tilespmem:$0x440] =	vst v7  }
0x4f: {  	v49 =	vld.idx.msk [tilespmem:v4+s16+$0x0], $0xffff;
	_ =	sdelay $0x4  }
0x50: {  	v7 =	vadd.f32 v49, v7;
	_ =	sdelay $0x1  }
0x51: {  	[tilespmem:$0x440] =	vst v7  }
0x52: {  	v50 =	vld.idx.msk [tilespmem:v5+s16+$0x0], $0xffff;
	_ =	sdelay $0x4  }
0x53: {  	v7 =	vadd.f32 v50, v7;
	_ =	sdelay $0x1  }
0x54: {  	v7 =	vmul.f32 v7, v2;
	_ =	sdelay $0x1  }
0x55: {  	v51 =	vmax.f32 v7, $9.999999680e-21  }
0x56: {  	v52 =	vshra.s32 v51, $0x1;
	v10 =	vmul.f32 $5.000000000e-01, v51  }
0x57: {  	v9 =	vsub.s32 $0x5F3759DF, v52  }
0x58: {  	v11 =	vmul.f32 v9, v10;
	_ =	sdelay $0x1  }
0x59: {  	v11 =	vmul.f32 v9, v11;
	_ =	sdelay $0x1  }
0x5a: {  	v11 =	vsub.f32 $1.500000000e+00, v11;
	_ =	sdelay $0x1  }
0x5b: {  	v9 =	vmul.f32 v9, v11;
	_ =	sdelay $0x1  }
0x5c: {  	v11 =	vmul.f32 v9, v10;
	_ =	sdelay $0x1  }
0x5d: {  	v11 =	vmul.f32 v11, v9;
	_ =	sdelay $0x1  }
0x5e: {  	v11 =	vsub.f32 $1.500000000e+00, v11;
	_ =	sdelay $0x1  }
0x5f: {  	v9 =	vmul.f32 v11, v9;
	_ =	sdelay $0x1  }
0x60: {  	v10 =	vmul.f32 v9, v10;
	_ =	sdelay $0x1  }
0x61: {  	v10 =	vmul.f32 v10, v9;
	_ =	sdelay $0x1  }
0x62: {  	v10 =	vsub.f32 $1.500000000e+00, v10;
	_ =	sdelay $0x1  }
0x63: {  	v9 =	vmul.f32 v10, v9;
	_ =	sdelay $0x1  }
0x64: {  	v9 =	vmul.f32 v9, v51;
	_ =	sdelay $0x1  }
0x65: {  	(erf) = vrcp.f32 v9;
	_ =	sdelay $0x8  }
0x66: {  	v53 =	vpop (erf)  }
0x67: {  	v8 =	vmul.f32 v53, v51;
	_ =	sdelay $0x1  }
0x68: {  	v54 =	vld [tilespmem:$0x410];
	v8 =	vadd.f32 v8, v9  }
0x69: {  	v55 =	vld [tilespmem:$0x400]  }
0x6a: {  	v8 =	vmul.f32 $5.000000000e-01, v8;
	_ =	sdelay $0x1  }
0x6b: {  	v8 =	vmul.f32 $9.999999770e-03, v8  }
0x6c: {  	vm0 =	vle.f32 v7, $9.999999680e-21;
	v7 =	vmul.f32 $9.900000090e-01, v54  }
0x6d: {  	v6 =	vmul.f32 $9.999999770e-03, v6;
	v56 =	vmul.f32 $9.900000090e-01, v55;
	v8 =	vsel vm0, $0x0, v8  }
0x6e: {  	v7 =	vadd.f32 v8, v7  }
0x6f: {  	v6 =	vadd.f32 v56, v6  }
0x70: {  	v8 =	vadd.f32 $1.000000050e-03, v7  }
0x71: {  	[tilespmem:$0x420] =	vst v6  }
0x72: {  	[tilespmem:$0x430] =	vst v7;
	(erf) = vrcp.f32 v8  }
0x73: {  	v7 =	vld [tilespmem:s8+$0x0];
	_ =	sdelay $0x4  }
0x74: {  	v7 =	vmax.f32 v7, $1.000000050e-03  }
0x75: {  	v7 =	vmin.f32 v7, $1.000000000e+02  }
0x76: {  	v7 =	vsub.f32 v7, v6  }
0x77: {  	v8 =	vpop (erf)  }
0x78: {  	v7 =	vmul.f32 v8, v7;
	_ =	sdelay $0x1  }
0x79: {  	v7 =	vmul.f32 $3.330000040e-01, v7;
	_ =	sdelay $0x1  }
0x7a: {  	v7 =	vmax.f32 v7, $-1.000000000e+00  }
0x7b: {  	v7 =	vmin.f32 v7, $1.000000000e+00  }
0x7c: {  	v7 =	vmul.f32 $4.000000060e-01, v7;
	_ =	sdelay $0x1  }
0x7d: {  	v57 =	vmul.f32 v7, v7;
	_ =	sdelay $0x1  }
0x7e: {  	v58 =	vmul.f32 $2.480158760e-05, v57;
	v59 =	vmul.f32 $1.984127010e-04, v57;
	_ =	sdelay $0x1  }
0x7f: {  	v10 =	vadd.f32 $-1.388888920e-03, v58;
	v11 =	vsub.f32 $8.333333770e-03, v59;
	_ =	sdelay $0x1  }
0x80: {  	v10 =	vmul.f32 v10, v57;
	v11 =	vmul.f32 v11, v57;
	_ =	sdelay $0x1  }
0x81: {  	v10 =	vadd.f32 $4.166666790e-02, v10;
	v11 =	vadd.f32 $-1.666666720e-01, v11;
	_ =	sdelay $0x1  }
0x82: {  	v10 =	vmul.f32 v10, v57;
	v11 =	vmul.f32 v11, v57;
	_ =	sdelay $0x1  }
0x83: {  	v10 =	vadd.f32 $-5.000000000e-01, v10;
	v60 =	vadd.f32 $1.000000000e+00, v11;
	_ =	sdelay $0x1  }
0x84: {  	v9 =	vmul.f32 v10, v57;
	v10 =	vmul.f32 v60, v7  }
0x85: {  	v7 =	vadd.f32 $4.000000060e-01, v7  }
0x86: {  	v9 =	vadd.f32 $1.000000000e+00, v9;
	[tilespmem:$0x470] =	vst v10  }
0x87: {  	[tilespmem:$0x490] =	vst v7  }
0x88: {  	[tilespmem:$0x450] =	vst v9  }
0x89: {  	v7 =	vld [tilespmem:s8+$0x10];
	_ =	sdelay $0x4  }
0x8a: {  	v7 =	vmax.f32 v7, $1.000000050e-03  }
0x8b: {  	v7 =	vmin.f32 v7, $1.000000000e+02  }
0x8c: {  	v6 =	vsub.f32 v7, v6;
	_ =	sdelay $0x1  }
0x8d: {  	v6 =	vmul.f32 v8, v6;
	_ =	sdelay $0x1  }
0x8e: {  	v6 =	vmul.f32 $3.330000040e-01, v6;
	_ =	sdelay $0x1  }
0x8f: {  	v6 =	vmax.f32 v6, $-1.000000000e+00  }
0x90: {  	v6 =	vmin.f32 v6, $1.000000000e+00  }
0x91: {  	v6 =	vmul.f32 $4.000000060e-01, v6;
	_ =	sdelay $0x1  }
0x92: {  	v7 =	vmul.f32 v6, v6;
	_ =	sdelay $0x1  }
0x93: {  	v61 =	vmul.f32 $2.480158760e-05, v7;
	v62 =	vmul.f32 $1.984127010e-04, v7;
	_ =	sdelay $0x1  }
0x94: {  	v8 =	vadd.f32 $-1.388888920e-03, v61;
	v9 =	vsub.f32 $8.333333770e-03, v62;
	_ =	sdelay $0x1  }
0x95: {  	v8 =	vmul.f32 v8, v7;
	v9 =	vmul.f32 v9, v7;
	_ =	sdelay $0x1  }
0x96: {  	v8 =	vadd.f32 $4.166666790e-02, v8;
	v9 =	vadd.f32 $-1.666666720e-01, v9;
	_ =	sdelay $0x1  }
0x97: {  	v8 =	vmul.f32 v8, v7;
	v9 =	vmul.f32 v9, v7;
	_ =	sdelay $0x1  }
0x98: {  	v8 =	vadd.f32 $-5.000000000e-01, v8;
	v63 =	vadd.f32 $1.000000000e+00, v9;
	_ =	sdelay $0x1  }
0x99: {  	v7 =	vmul.f32 v8, v7;
	v8 =	vmul.f32 v63, v6  }
0x9a: {  	v6 =	vadd.f32 $4.000000060e-01, v6  }
0x9b: {  	v7 =	vadd.f32 $1.000000000e+00, v7;
	[tilespmem:$0x480] =	vst v8  }
0x9c: {  	[tilespmem:$0x4A0] =	vst v6  }
0x9d: {  	[tilespmem:$0x460] =	vst v7  }
0x9e: {  	[hbm4b:s9+s5] =	stream.linear.scatter [tilespmem:s17], [sflag:$0x1], $0x20, $0x38;
	[tilespmem:$0x4B0] =	vst v63  }
0x9f: {  	_ =	swait.ge [sflag:s13], $0x20  }
0xa0: {  	[sflag:s13] =	ssyncset.done $0x0  }
0xa1: {  	[sflag:s13] =	ssyncadd.s32 $0xFFFFFFE0  }
0xa2: {  	[hbm4b:s10+s5] =	stream.linear.scatter [tilespmem:s18], [sflag:$0x1], $0x20, $0x38;
	[tilespmem:$0x4B0] =	vst v63  }
0xa3: {  	_ =	swait.ge [sflag:s13], $0x20  }
0xa4: {  	[sflag:s13] =	ssyncset.done $0x0  }
0xa5: {  	[sflag:s13] =	ssyncadd.s32 $0xFFFFFFE0  }
0xa6: {  	[hbm4b:s11+s5] =	stream.linear.scatter [tilespmem:s19], [sflag:$0x1], $0x20, $0x38;
	[tilespmem:$0x4B0] =	vst v63  }
0xa7: {  	_ =	swait.ge [sflag:s13], $0x20  }
0xa8: {  	[sflag:s13] =	ssyncset.done $0x0  }
0xa9: {  	s21 =	simm.s32 @!p0 $0x0;
	s22 =	simm.s32 @!p0 $0x420;
	[sflag:s13] =	ssyncadd.s32 $0xFFFFFFE0  }
0xaa: {  	[hbm4b:s3+s21] =	stream.linear.scatter @!p0 [tilespmem:s22], [sflag:$0x1], $0x10, $0x38;
	[tilespmem:$0x4B0] =	vst v63  }
0xab: {  	s22 =	simm.s32 @!p0 $0x1  }
0xac: {  	s20 =	sadd.s32 $0x1, s20;
	_ =	swait.ge @!p0 [sflag:s22], $0x10  }
0xad: {  	p1 =	sne.s32 s20, s12;
	[sflag:s22] =	ssyncset.done @!p0 $0x0  }
.Ltmp2:
0xae: {  	s23 =	simm.s32 @!p0 $0x430;
	[sflag:s22] =	ssyncadd.s32 @!p0 $0xFFFFFFF0;
	(pc) =	sbr.rel @p1 .LBB2_1-.Ltmp2, $4  }
0xaf: {  	[hbm4b:s4+s21] =	stream.linear.scatter @!p0 [tilespmem:s23], [sflag:$0x1], $0x10, $0x38;
	[tilespmem:$0x4B0] =	vst v63  }
0xb0: {  	_ =	swait.ge @!p0 [sflag:s22], $0x10  }
0xb1: {  	[sflag:s22] =	ssyncset.done @!p0 $0x0  }
0xb2: {  	[sflag:s22] =	ssyncadd.s32 @!p0 $0xFFFFFFF0  }
0xb3: {  	_ =	sfence.sel $0x180000  }
0xb4: {  	[bflag:$0x0] =	sbarrier.arrive $0xFFFF  }
0xb5: {  	p0 =	sne.s32 s6, $0x0;
	_ =	strace $0x90000047  }
0xb6: {  	s0 =	sadd.s32 @!p0 $0x100000, s0;
	[bflag:$0x2] =	sbarrier.arrive $0xFFFF  }
0xb7: {  	[sflag:s0] =	ssyncadd.tile.s32 @!p0 $0x1;
	_ =	shalt  }
.Lfunc_end2:
_tile_overlayer_lowered:
.L_overlay_start_2:
0xb8: {  	(tag) =	ssettag $0x2  }
0xb9: {  	s0 =	rddreg [dreg:$0x0];
	s2 =	stileid.u32  }
0xba: {  	s1 =	rddreg [dreg:$0x1];
	p0 =	sne.s32 s2, $0x0  }
0xbb: {  	s3 =	rddreg [dreg:$0x2];
	[bflag:$0x3] =	sbarrier.arrive $0xFFFF;
	s2 =	simm.s32 @!p0 $0x1C01  }
0xbc: {  	[timem:s3], [sflag:s2] =	dma.local @!p0 [hbm:s0], s1  }
0xbd: {  	s0 =	simm.s32 @!p0 $0x1  }
0xbe: {  	_ =	swait.ge @!p0 [sflag:s0], s1  }
0xbf: {  	s1 =	ssub.s32 @!p0 $0x0, s1;
	[sflag:s0] =	ssyncset.done @!p0 $0x0  }
0xc0: {  	[sflag:s0] =	ssyncadd.s32 @!p0 s1  }
0xc1: {  	[bflag:$0x3] =	sbarrier.arrive $0xFFFF  }
0xc2: {  	_ =	shalt  }

</sc_bundles>
